<compile_context>
chip_gen: v7x
topology: tpu7x:2x2x1
jax: 0.10.2.dev20260603
libtpu: 0.0.44.dev20260713+nightly
codegen_flags: <defaults>
</compile_context>

<pallas_src>
import functools

import jax
import jax.numpy as jnp
from jax import lax
from jax.experimental import pallas as pl
from jax.experimental.pallas import tpu as pltpu
from jax.experimental.pallas import tpu_sc as plsc

S, N, K, D = 16, 16384, 256, 32

NB = 8192
NBLK = N // NB
HALF_S = S // 2
CHUNK = 128
WORKERS_PER_SUB = 2
PTS_PER_WORKER = N // WORKERS_PER_SUB
NCHUNK = PTS_PER_WORKER // CHUNK
ROWS_PER_TILE = HALF_S * K // 16
PADW = 128


def _assign_body(x_ref, c_ref, assigns_ref):
    x = x_ref[0]
    c = c_ref[0]
    c2 = jnp.sum(c * c, axis=1)
    xc = lax.dot_general(x, c * -2.0, (((1,), (1,)), ((), ())),
                         preferred_element_type=jnp.float32)
    dist = xc + c2[None, :]
    assigns_ref[0, 0, :] = jnp.argmin(dist, axis=1).astype(jnp.int32)


_assign_call = pl.pallas_call(
    _assign_body,
    grid=(S, NBLK),
    in_specs=[
        pl.BlockSpec((1, NB, D), lambda s, nb: (s, nb, 0)),
        pl.BlockSpec((1, K, D), lambda s, nb: (s, 0, 0)),
    ],
    out_specs=pl.BlockSpec((1, 1, NB), lambda s, nb: (s * NBLK + nb, 0, 0)),
    out_shape=jax.ShapeDtypeStruct((S * NBLK, 1, NB), jnp.int32),
)


def _scatter_body(x_hbm, assigns_hbm, cents_hbm, out_hbm,
                  xbuf0, xbuf1, xpad0, xpad1, ibuf0, ibuf1,
                  sem_x0, sem_x1, sem_i0, sem_i1, sem_s0, sem_s1, shared):
    cid = lax.axis_index("c")
    tid = lax.axis_index("s")
    sub = cid * HALF_S + (tid % HALF_S)
    half = tid // HALF_S
    row_off = (tid % HALF_S) * K
    zero16 = jnp.zeros((16,), jnp.float32)
    one16 = jnp.zeros((16,), jnp.float32) + 1.0
    xbufs, xpads, ibufs = (xbuf0, xbuf1), (xpad0, xpad1), (ibuf0, ibuf1)
    sems_x, sems_i, sems_s = (sem_x0, sem_x1), (sem_i0, sem_i1), (sem_s0, sem_s1)

    def zrow(r, carry):
        for cc in range(PADW // 16):
            xpad0[r, pl.ds(cc * 16, 16)] = zero16
        return carry

    lax.fori_loop(0, CHUNK, zrow, 0)
    pltpu.sync_copy(xpad0, shared.at[pl.ds(tid * ROWS_PER_TILE, ROWS_PER_TILE)])

    def onerow(r, carry):
        xpad0[r, pl.ds(D, 16)] = one16
        xpad1[r, pl.ds(D, 16)] = one16
        for cc in range(D // 16 + 1, PADW // 16):
            xpad1[r, pl.ds(cc * 16, 16)] = zero16
        return carry

    lax.fori_loop(0, CHUNK, onerow, 0)
    plsc.subcore_barrier()
    base_n = half * PTS_PER_WORKER

    def start_fetch(i, b):
        n0 = pl.multiple_of(base_n + i * CHUNK, CHUNK)
        pltpu.make_async_copy(x_hbm.at[sub, pl.ds(n0, CHUNK)], xbufs[b],
                              sems_x[b]).start()
        pltpu.make_async_copy(assigns_hbm.at[sub, pl.ds(n0, CHUNK)], ibufs[b],
                              sems_i[b]).start()

    def wait_fetch(i, b):
        n0 = pl.multiple_of(base_n + i * CHUNK, CHUNK)
        pltpu.make_async_copy(x_hbm.at[sub, pl.ds(n0, CHUNK)], xbufs[b],
                              sems_x[b]).wait()
        pltpu.make_async_copy(assigns_hbm.at[sub, pl.ds(n0, CHUNK)], ibufs[b],
                              sems_i[b]).wait()

    def do_chunk(i, b, drain_other):
        wait_fetch(i, b)

        def pad_row(r, carry):
            xpads[b][r, pl.ds(0, 16)] = xbufs[b][r, pl.ds(0, 16)]
            xpads[b][r, pl.ds(16, 16)] = xbufs[b][r, pl.ds(16, 16)]
            return carry

        lax.fori_loop(0, CHUNK, pad_row, 0)
        for j in range(CHUNK // 16):
            sl = pl.ds(j * 16, 16)
            ibufs[b][sl] = ibufs[b][sl] + row_off
        pltpu.make_async_copy(xpads[b], shared.at[ibufs[b]], sems_s[b]).start(add=True)
        @pl.when(i + 1 < NCHUNK)
        def _():
            if drain_other:
                pltpu.make_async_copy(
                    xpads[1 - b], shared.at[ibufs[1 - b]], sems_s[1 - b]).wait()
            start_fetch(i + 1, 1 - b)

    start_fetch(0, 0)
    do_chunk(0, 0, False)
    do_chunk(1, 1, True)

    def pair(g, carry):
        i = 2 + g * 2
        do_chunk(i, 0, True)
        do_chunk(i + 1, 1, True)
        return carry

    lax.fori_loop(0, (NCHUNK - 2) // 2, pair, 0)
    pltpu.make_async_copy(xpads[0], shared.at[ibufs[0]], sems_s[0]).wait()
    pltpu.make_async_copy(xpads[1], shared.at[ibufs[1]], sems_s[1]).wait()
    plsc.subcore_barrier()
    out_base = cid * (HALF_S * K)
    rows0 = pl.multiple_of(out_base + tid * ROWS_PER_TILE, ROWS_PER_TILE)
    pltpu.sync_copy(shared.at[pl.ds(tid * ROWS_PER_TILE, ROWS_PER_TILE)], xpad0)
    pltpu.sync_copy(cents_hbm.at[pl.ds(rows0, ROWS_PER_TILE)], xbuf0)

    def mrow(r, carry):
        cntv = xpad0[r, pl.ds(D, 16)]
        denom = jnp.maximum(cntv, one16)
        keep = jnp.minimum(cntv, one16)
        drop = one16 - keep
        m0 = xpad0[r, pl.ds(0, 16)] / denom
        m1 = xpad0[r, pl.ds(16, 16)] / denom
        xbuf0[r, pl.ds(0, 16)] = m0 * keep + xbuf0[r, pl.ds(0, 16)] * drop
        xbuf0[r, pl.ds(16, 16)] = m1 * keep + xbuf0[r, pl.ds(16, 16)] * drop
        return carry

    lax.fori_loop(0, ROWS_PER_TILE, mrow, 0)
    pltpu.sync_copy(xbuf0, out_hbm.at[pl.ds(rows0, ROWS_PER_TILE)])


@functools.lru_cache(maxsize=1)
def _get_scatter_kernel():
    mesh = plsc.VectorSubcoreMesh(core_axis_name="c", subcore_axis_name="s")
    return pl.kernel(
        _scatter_body,
        mesh=mesh,
        out_type=jax.ShapeDtypeStruct((S * K, D), jnp.float32),
        scratch_types=[
            pltpu.VMEM((CHUNK, D), jnp.float32),
            pltpu.VMEM((CHUNK, D), jnp.float32),
            pltpu.VMEM((CHUNK, PADW), jnp.float32),
            pltpu.VMEM((CHUNK, PADW), jnp.float32),
            pltpu.VMEM((CHUNK,), jnp.int32),
            pltpu.VMEM((CHUNK,), jnp.int32),
            pltpu.SemaphoreType.DMA,
            pltpu.SemaphoreType.DMA,
            pltpu.SemaphoreType.DMA,
            pltpu.SemaphoreType.DMA,
            pltpu.SemaphoreType.DMA,
            pltpu.SemaphoreType.DMA,
            pltpu.VMEM_SHARED((HALF_S * K, PADW), jnp.float32),
        ],
    )


def kernel(x, centroids):
    assigns3 = _assign_call(x, centroids)
    assigns = assigns3.reshape(S, N)
    new_centroids = _get_scatter_kernel()(x, assigns, centroids.reshape(S * K, D))
    return new_centroids.reshape(S, K, D), assigns

# --- scband reference (transcript-rebuilt; emitter-appended) ---
"""Pipeline reference for scband-parallel-kmeans-66614942761221 (READ-ONLY COPY).

The authoritative reference and input builder live on the scoring server;
editing this copy changes nothing except your own understanding.
"""

import jax, jax.numpy as jnp
import numpy as np

S, N, K, D = 16, 16384, 256, 32

def setup_inputs(seed: int = 0) -> dict:
    key = jax.random.key(seed)
    k1, k2 = jax.random.split(key)
    x = jax.random.normal(k1, (S, N, D), dtype=jnp.float32)
    centroids = jax.random.normal(k2, (S, K, D), dtype=jnp.float32)
    return {"x": x, "centroids": centroids}

def reference(x, centroids):
    # One ParallelKmeans iteration: L2 assign (argmin over squared distances)
    # followed by the masked per-cluster mean update from Kmeans.update.
    x2 = jnp.sum(x * x, axis=-1, keepdims=True)            # [S, N, 1]
    c2 = jnp.sum(centroids * centroids, axis=-1)           # [S, K]
    dist = x2 - 2.0 * jnp.einsum('snd,skd->snk', x, centroids) + c2[:, None, :]
    assigns = jnp.argmin(dist, axis=-1)                    # [S, N] int
    # scatter-add per-cluster sums/counts (SparseCore-friendly segment_sum)
    offsets = (jnp.arange(S, dtype=assigns.dtype) * K)[:, None]
    flat_ids = (assigns + offsets).reshape(-1)             # [S*N]
    flat_x = x.reshape(S * N, D)
    sums = jax.ops.segment_sum(flat_x, flat_ids, num_segments=S * K).reshape(S, K, D)
    counts = jax.ops.segment_sum(jnp.ones((S * N,), dtype=x.dtype), flat_ids, num_segments=S * K).reshape(S, K)
    means = sums / jnp.maximum(counts, 1.0)[..., None]
    # clusters with no assigned points keep their previous centroid
    new_centroids = jnp.where((counts > 0)[..., None], means, centroids)
    return new_centroids, assigns

if __name__ == "__main__":
    import jax
    _d = setup_inputs()
    print(jax.jit(kernel)(*tuple(_d.values())))

</pallas_src>

<mosaic_0001>
#map = affine_map<(d0, d1) -> (0, 0, 0)>
#map1 = affine_map<(d0, d1) -> (0, 0)>
module attributes {stable_mosaic.version = 14 : i64} {
  func.func @_scatter_body(%arg0: i32, %arg1: i32, %arg2: memref<16x16384x32xf32, #tpu.memory_space<hbm>>, %arg3: memref<16x16384xi32, #tpu.memory_space<hbm>>, %arg4: memref<4096x32xf32, #tpu.memory_space<hbm>>, %arg5: memref<4096x32xf32, #tpu.memory_space<hbm>>, %arg6: memref<128x32xf32, #tpu.memory_space<vmem>>, %arg7: memref<128x32xf32, #tpu.memory_space<vmem>>, %arg8: memref<128x128xf32, #tpu.memory_space<vmem>>, %arg9: memref<128x128xf32, #tpu.memory_space<vmem>>, %arg10: memref<128xi32, #tpu.memory_space<vmem>>, %arg11: memref<128xi32, #tpu.memory_space<vmem>>, %arg12: memref<!tpu.dma_semaphore, #tpu.memory_space<semaphore_mem>>, %arg13: memref<!tpu.dma_semaphore, #tpu.memory_space<semaphore_mem>>, %arg14: memref<!tpu.dma_semaphore, #tpu.memory_space<semaphore_mem>>, %arg15: memref<!tpu.dma_semaphore, #tpu.memory_space<semaphore_mem>>, %arg16: memref<!tpu.dma_semaphore, #tpu.memory_space<semaphore_mem>>, %arg17: memref<!tpu.dma_semaphore, #tpu.memory_space<semaphore_mem>>, %arg18: memref<2048x128xf32, #tpu.memory_space<vmem_shared>>) attributes {dimension_semantics = [#tpu.dimension_semantics<core_parallel>, #tpu.dimension_semantics<subcore_parallel>], iteration_bounds = array<i64: 2, 16>, scalar_prefetch = 0 : i64, scratch_operands = 13 : i64, tpu.core_type = #tpu.core_type<sc_vector_subcore>, window_params = [{transform_indices = #map}, {transform_indices = #map1}, {transform_indices = #map1}, {transform_indices = #map1}]} {
    %mul3A = arith.constant 8 : i32
    %mul3A_0 = arith.muli %arg0, %mul3A : i32
    %jit3A = arith.constant 8 : i32
    %eq3A = arith.constant 0 : i32
    %eq3A_1 = arith.cmpi eq, %jit3A, %eq3A : i32
    %jit3A_2 = arith.constant 1 : i32
    %select_n3A = arith.select %eq3A_1, %jit3A_2, %jit3A : i32
    %rem3A = arith.remsi %arg1, %select_n3A : i32
    %ne3A = arith.constant 0 : i32
    %ne3A_3 = arith.cmpi ne, %rem3A, %ne3A : i32
    %lt3A = arith.constant 0 : i32
    %lt3A_4 = arith.cmpi slt, %rem3A, %lt3A : i32
    %lt3A_5 = arith.constant 0 : i32
    %lt3A_6 = arith.cmpi slt, %select_n3A, %lt3A_5 : i32
    %ne3A_7 = arith.xori %lt3A_4, %lt3A_6 : i1
    %and3A = arith.andi %ne3A_7, %ne3A_3 : i1
    %add3A = arith.addi %rem3A, %select_n3A : i32
    %select_n3A_8 = arith.select %and3A, %add3A, %rem3A : i32
    %add3A_9 = arith.addi %mul3A_0, %select_n3A_8 : i32
    %jit3A_10 = arith.constant 8 : i32
    %div3A = arith.divsi %arg1, %jit3A_10 : i32
    %sign3A = arith.constant 0 : i32
    %sign3A_11 = arith.cmpi sgt, %arg1, %sign3A : i32
    %sign3A_12 = arith.extui %sign3A_11 : i1 to i32
    %sign3A_13 = arith.constant 0 : i32
    %sign3A_14 = arith.cmpi slt, %arg1, %sign3A_13 : i32
    %sign3A_15 = arith.extui %sign3A_14 : i1 to i32
    %sign3A_16 = arith.subi %sign3A_12, %sign3A_15 : i32
    %sign3A_17 = arith.constant 0 : i32
    %sign3A_18 = arith.cmpi sgt, %jit3A_10, %sign3A_17 : i32
    %sign3A_19 = arith.extui %sign3A_18 : i1 to i32
    %sign3A_20 = arith.constant 0 : i32
    %sign3A_21 = arith.cmpi slt, %jit3A_10, %sign3A_20 : i32
    %sign3A_22 = arith.extui %sign3A_21 : i1 to i32
    %sign3A_23 = arith.subi %sign3A_19, %sign3A_22 : i32
    %ne3A_24 = arith.cmpi ne, %sign3A_16, %sign3A_23 : i32
    %rem3A_25 = arith.remsi %arg1, %jit3A_10 : i32
    %ne3A_26 = arith.constant 0 : i32
    %ne3A_27 = arith.cmpi ne, %rem3A_25, %ne3A_26 : i32
    %and3A_28 = arith.andi %ne3A_24, %ne3A_27 : i1
    %sub3A = arith.constant 1 : i32
    %sub3A_29 = arith.subi %div3A, %sub3A : i32
    %select_n3A_30 = arith.select %and3A_28, %sub3A_29, %div3A : i32
    %jit3A_31 = arith.constant 8 : i32
    %eq3A_32 = arith.constant 0 : i32
    %eq3A_33 = arith.cmpi eq, %jit3A_31, %eq3A_32 : i32
    %jit3A_34 = arith.constant 1 : i32
    %select_n3A_35 = arith.select %eq3A_33, %jit3A_34, %jit3A_31 : i32
    %rem3A_36 = arith.remsi %arg1, %select_n3A_35 : i32
    %ne3A_37 = arith.constant 0 : i32
    %ne3A_38 = arith.cmpi ne, %rem3A_36, %ne3A_37 : i32
    %lt3A_39 = arith.constant 0 : i32
    %lt3A_40 = arith.cmpi slt, %rem3A_36, %lt3A_39 : i32
    %lt3A_41 = arith.constant 0 : i32
    %lt3A_42 = arith.cmpi slt, %select_n3A_35, %lt3A_41 : i32
    %ne3A_43 = arith.xori %lt3A_40, %lt3A_42 : i1
    %and3A_44 = arith.andi %ne3A_43, %ne3A_38 : i1
    %add3A_45 = arith.addi %rem3A_36, %select_n3A_35 : i32
    %select_n3A_46 = arith.select %and3A_44, %add3A_45, %rem3A_36 : i32
    %mul3A_47 = arith.constant 256 : i32
    %mul3A_48 = arith.muli %select_n3A_46, %mul3A_47 : i32
    %broadcast_in_dim3A = arith.constant 0.000000e+00 : f32
    %broadcast_in_dim3A_49 = vector.broadcast %broadcast_in_dim3A : f32 to vector<16xf32>
    %broadcast_in_dim3A_50 = arith.constant 0.000000e+00 : f32
    %broadcast_in_dim3A_51 = vector.broadcast %broadcast_in_dim3A_50 : f32 to vector<16xf32>
    %add3A_52 = arith.constant 1.000000e+00 : f32
    %add3A_53 = vector.broadcast %add3A_52 : f32 to vector<16xf32>
    %add3A_54 = arith.addf %broadcast_in_dim3A_51, %add3A_53 : vector<16xf32>
    %scan3A = arith.constant 0 : i32
    %scan3A_55 = arith.constant 0 : i32
    %scan3A_56 = arith.constant 128 : i32
    %scan3A_57 = arith.addi %scan3A_55, %scan3A_56 : i32
    %scan3A_58 = arith.constant 1 : i32
    scf.for %scan3A_322 = %scan3A_55 to %scan3A_57 step %scan3A_58  : i32 {
      %swap3A_323 = arith.index_cast %scan3A_322 : i32 to index
      %swap3A_324 = arith.constant 0 : index
      %swap3A_325 = tpu.vector_load %arg8[%swap3A_323, %swap3A_324] {strides = array<i32>} : memref<128x128xf32, #tpu.memory_space<vmem>>, vector<1x16xf32>,
      %swap3A_326 = vector.shape_cast %swap3A_325 : vector<1x16xf32> to vector<16xf32>
      %swap3A_327 = vector.shape_cast %broadcast_in_dim3A_49 : vector<16xf32> to vector<1x16xf32>
      tpu.vector_store %arg8[%swap3A_323, %swap3A_324], %swap3A_327 {strides = array<i32>} : memref<128x128xf32, #tpu.memory_space<vmem>>, vector<1x16xf32>,
      %swap3A_328 = arith.index_cast %scan3A_322 : i32 to index
      %swap3A_329 = arith.constant 16 : index
      %swap3A_330 = tpu.vector_load %arg8[%swap3A_328, %swap3A_329] {strides = array<i32>} : memref<128x128xf32, #tpu.memory_space<vmem>>, vector<1x16xf32>,
      %swap3A_331 = vector.shape_cast %swap3A_330 : vector<1x16xf32> to vector<16xf32>
      %swap3A_332 = vector.shape_cast %broadcast_in_dim3A_49 : vector<16xf32> to vector<1x16xf32>
      tpu.vector_store %arg8[%swap3A_328, %swap3A_329], %swap3A_332 {strides = array<i32>} : memref<128x128xf32, #tpu.memory_space<vmem>>, vector<1x16xf32>,
      %swap3A_333 = arith.index_cast %scan3A_322 : i32 to index
      %swap3A_334 = arith.constant 32 : index
      %swap3A_335 = tpu.vector_load %arg8[%swap3A_333, %swap3A_334] {strides = array<i32>} : memref<128x128xf32, #tpu.memory_space<vmem>>, vector<1x16xf32>,
      %swap3A_336 = vector.shape_cast %swap3A_335 : vector<1x16xf32> to vector<16xf32>
      %swap3A_337 = vector.shape_cast %broadcast_in_dim3A_49 : vector<16xf32> to vector<1x16xf32>
      tpu.vector_store %arg8[%swap3A_333, %swap3A_334], %swap3A_337 {strides = array<i32>} : memref<128x128xf32, #tpu.memory_space<vmem>>, vector<1x16xf32>,
      %swap3A_338 = arith.index_cast %scan3A_322 : i32 to index
      %swap3A_339 = arith.constant 48 : index
      %swap3A_340 = tpu.vector_load %arg8[%swap3A_338, %swap3A_339] {strides = array<i32>} : memref<128x128xf32, #tpu.memory_space<vmem>>, vector<1x16xf32>,
      %swap3A_341 = vector.shape_cast %swap3A_340 : vector<1x16xf32> to vector<16xf32>
      %swap3A_342 = vector.shape_cast %broadcast_in_dim3A_49 : vector<16xf32> to vector<1x16xf32>
      tpu.vector_store %arg8[%swap3A_338, %swap3A_339], %swap3A_342 {strides = array<i32>} : memref<128x128xf32, #tpu.memory_space<vmem>>, vector<1x16xf32>,
      %swap3A_343 = arith.index_cast %scan3A_322 : i32 to index
      %swap3A_344 = arith.constant 64 : index
      %swap3A_345 = tpu.vector_load %arg8[%swap3A_343, %swap3A_344] {strides = array<i32>} : memref<128x128xf32, #tpu.memory_space<vmem>>, vector<1x16xf32>,
      %swap3A_346 = vector.shape_cast %swap3A_345 : vector<1x16xf32> to vector<16xf32>
      %swap3A_347 = vector.shape_cast %broadcast_in_dim3A_49 : vector<16xf32> to vector<1x16xf32>
      tpu.vector_store %arg8[%swap3A_343, %swap3A_344], %swap3A_347 {strides = array<i32>} : memref<128x128xf32, #tpu.memory_space<vmem>>, vector<1x16xf32>,
      %swap3A_348 = arith.index_cast %scan3A_322 : i32 to index
      %swap3A_349 = arith.constant 80 : index
      %swap3A_350 = tpu.vector_load %arg8[%swap3A_348, %swap3A_349] {strides = array<i32>} : memref<128x128xf32, #tpu.memory_space<vmem>>, vector<1x16xf32>,
      %swap3A_351 = vector.shape_cast %swap3A_350 : vector<1x16xf32> to vector<16xf32>
      %swap3A_352 = vector.shape_cast %broadcast_in_dim3A_49 : vector<16xf32> to vector<1x16xf32>
      tpu.vector_store %arg8[%swap3A_348, %swap3A_349], %swap3A_352 {strides = array<i32>} : memref<128x128xf32, #tpu.memory_space<vmem>>, vector<1x16xf32>,
      %swap3A_353 = arith.index_cast %scan3A_322 : i32 to index
      %swap3A_354 = arith.constant 96 : index
      %swap3A_355 = tpu.vector_load %arg8[%swap3A_353, %swap3A_354] {strides = array<i32>} : memref<128x128xf32, #tpu.memory_space<vmem>>, vector<1x16xf32>,
      %swap3A_356 = vector.shape_cast %swap3A_355 : vector<1x16xf32> to vector<16xf32>
      %swap3A_357 = vector.shape_cast %broadcast_in_dim3A_49 : vector<16xf32> to vector<1x16xf32>
      tpu.vector_store %arg8[%swap3A_353, %swap3A_354], %swap3A_357 {strides = array<i32>} : memref<128x128xf32, #tpu.memory_space<vmem>>, vector<1x16xf32>,
      %swap3A_358 = arith.index_cast %scan3A_322 : i32 to index
      %swap3A_359 = arith.constant 112 : index
      %swap3A_360 = tpu.vector_load %arg8[%swap3A_358, %swap3A_359] {strides = array<i32>} : memref<128x128xf32, #tpu.memory_space<vmem>>, vector<1x16xf32>,
      %swap3A_361 = vector.shape_cast %swap3A_360 : vector<1x16xf32> to vector<16xf32>
      %swap3A_362 = vector.shape_cast %broadcast_in_dim3A_49 : vector<16xf32> to vector<1x16xf32>
      tpu.vector_store %arg8[%swap3A_358, %swap3A_359], %swap3A_362 {strides = array<i32>} : memref<128x128xf32, #tpu.memory_space<vmem>>, vector<1x16xf32>,
    }
    %scan3A_59 = arith.constant 128 : i32
    %mul3A_60 = arith.constant 128 : i32
    %mul3A_61 = arith.muli %arg1, %mul3A_60 : i32
    "tpu.region"() ({
      %run_scoped3A = tpu.sem_alloc : memref<!tpu.dma_semaphore, #tpu.memory_space<semaphore_mem>>
      %dma_start3A_322 = arith.constant 0 : i32
      %dma_start3A_323 = tpu.memref_slice %arg18[%mul3A_61, %dma_start3A_322] : memref<2048x128xf32, #tpu.memory_space<vmem_shared>> -> memref<128x128xf32, #tpu.memory_space<vmem_shared>>
      %dma_start3A_324 = arith.constant 0 : i32
      %dma_start3A_325 = tpu.memref_slice %arg18[%mul3A_61, %dma_start3A_324] : memref<2048x128xf32, #tpu.memory_space<vmem_shared>> -> memref<128x128xf32, #tpu.memory_space<vmem_shared>>
      tpu.enqueue_dma source(%arg8 : memref<128x128xf32, #tpu.memory_space<vmem>>) target(%dma_start3A_325 : memref<128x128xf32, #tpu.memory_space<vmem_shared>>) target_semaphore(%run_scoped3A : memref<!tpu.dma_semaphore, #tpu.memory_space<semaphore_mem>>)
      %dma_wait3A_326 = arith.constant 0 : i32
      %dma_wait3A_327 = tpu.memref_slice %arg18[%mul3A_61, %dma_wait3A_326] : memref<2048x128xf32, #tpu.memory_space<vmem_shared>> -> memref<128x128xf32, #tpu.memory_space<vmem_shared>>
      %dma_wait3A_328 = arith.constant 0 : i32
      %dma_wait3A_329 = tpu.memref_slice %arg18[%mul3A_61, %dma_wait3A_328] : memref<2048x128xf32, #tpu.memory_space<vmem_shared>> -> memref<128x128xf32, #tpu.memory_space<vmem_shared>>
      tpu.wait_dma2 semaphore(%run_scoped3A : memref<!tpu.dma_semaphore, #tpu.memory_space<semaphore_mem>>) src(%arg8 : memref<128x128xf32, #tpu.memory_space<vmem>>) dst(%dma_wait3A_329 : memref<128x128xf32, #tpu.memory_space<vmem_shared>>)
      tpu.yield
    }) : () -> ()
    %scan3A_62 = arith.constant 0 : i32
    %scan3A_63 = arith.constant 0 : i32
    %scan3A_64 = arith.constant 128 : i32
    %scan3A_65 = arith.addi %scan3A_63, %scan3A_64 : i32
    %scan3A_66 = arith.constant 1 : i32
    scf.for %scan3A_322 = %scan3A_63 to %scan3A_65 step %scan3A_66  : i32 {
      %swap3A_323 = arith.index_cast %scan3A_322 : i32 to index
      %swap3A_324 = arith.constant 32 : index
      %swap3A_325 = tpu.vector_load %arg8[%swap3A_323, %swap3A_324] {strides = array<i32>} : memref<128x128xf32, #tpu.memory_space<vmem>>, vector<1x16xf32>,
      %swap3A_326 = vector.shape_cast %swap3A_325 : vector<1x16xf32> to vector<16xf32>
      %swap3A_327 = vector.shape_cast %add3A_54 : vector<16xf32> to vector<1x16xf32>
      tpu.vector_store %arg8[%swap3A_323, %swap3A_324], %swap3A_327 {strides = array<i32>} : memref<128x128xf32, #tpu.memory_space<vmem>>, vector<1x16xf32>,
      %swap3A_328 = arith.index_cast %scan3A_322 : i32 to index
      %swap3A_329 = arith.constant 32 : index
      %swap3A_330 = tpu.vector_load %arg9[%swap3A_328, %swap3A_329] {strides = array<i32>} : memref<128x128xf32, #tpu.memory_space<vmem>>, vector<1x16xf32>,
      %swap3A_331 = vector.shape_cast %swap3A_330 : vector<1x16xf32> to vector<16xf32>
      %swap3A_332 = vector.shape_cast %add3A_54 : vector<16xf32> to vector<1x16xf32>
      tpu.vector_store %arg9[%swap3A_328, %swap3A_329], %swap3A_332 {strides = array<i32>} : memref<128x128xf32, #tpu.memory_space<vmem>>, vector<1x16xf32>,
      %swap3A_333 = arith.index_cast %scan3A_322 : i32 to index
      %swap3A_334 = arith.constant 48 : index
      %swap3A_335 = tpu.vector_load %arg9[%swap3A_333, %swap3A_334] {strides = array<i32>} : memref<128x128xf32, #tpu.memory_space<vmem>>, vector<1x16xf32>,
      %swap3A_336 = vector.shape_cast %swap3A_335 : vector<1x16xf32> to vector<16xf32>
      %swap3A_337 = vector.shape_cast %broadcast_in_dim3A_49 : vector<16xf32> to vector<1x16xf32>
      tpu.vector_store %arg9[%swap3A_333, %swap3A_334], %swap3A_337 {strides = array<i32>} : memref<128x128xf32, #tpu.memory_space<vmem>>, vector<1x16xf32>,
      %swap3A_338 = arith.index_cast %scan3A_322 : i32 to index
      %swap3A_339 = arith.constant 64 : index
      %swap3A_340 = tpu.vector_load %arg9[%swap3A_338, %swap3A_339] {strides = array<i32>} : memref<128x128xf32, #tpu.memory_space<vmem>>, vector<1x16xf32>,
      %swap3A_341 = vector.shape_cast %swap3A_340 : vector<1x16xf32> to vector<16xf32>
      %swap3A_342 = vector.shape_cast %broadcast_in_dim3A_49 : vector<16xf32> to vector<1x16xf32>
      tpu.vector_store %arg9[%swap3A_338, %swap3A_339], %swap3A_342 {strides = array<i32>} : memref<128x128xf32, #tpu.memory_space<vmem>>, vector<1x16xf32>,
      %swap3A_343 = arith.index_cast %scan3A_322 : i32 to index
      %swap3A_344 = arith.constant 80 : index
      %swap3A_345 = tpu.vector_load %arg9[%swap3A_343, %swap3A_344] {strides = array<i32>} : memref<128x128xf32, #tpu.memory_space<vmem>>, vector<1x16xf32>,
      %swap3A_346 = vector.shape_cast %swap3A_345 : vector<1x16xf32> to vector<16xf32>
      %swap3A_347 = vector.shape_cast %broadcast_in_dim3A_49 : vector<16xf32> to vector<1x16xf32>
      tpu.vector_store %arg9[%swap3A_343, %swap3A_344], %swap3A_347 {strides = array<i32>} : memref<128x128xf32, #tpu.memory_space<vmem>>, vector<1x16xf32>,
      %swap3A_348 = arith.index_cast %scan3A_322 : i32 to index
      %swap3A_349 = arith.constant 96 : index
      %swap3A_350 = tpu.vector_load %arg9[%swap3A_348, %swap3A_349] {strides = array<i32>} : memref<128x128xf32, #tpu.memory_space<vmem>>, vector<1x16xf32>,
      %swap3A_351 = vector.shape_cast %swap3A_350 : vector<1x16xf32> to vector<16xf32>
      %swap3A_352 = vector.shape_cast %broadcast_in_dim3A_49 : vector<16xf32> to vector<1x16xf32>
      tpu.vector_store %arg9[%swap3A_348, %swap3A_349], %swap3A_352 {strides = array<i32>} : memref<128x128xf32, #tpu.memory_space<vmem>>, vector<1x16xf32>,
      %swap3A_353 = arith.index_cast %scan3A_322 : i32 to index
      %swap3A_354 = arith.constant 112 : index
      %swap3A_355 = tpu.vector_load %arg9[%swap3A_353, %swap3A_354] {strides = array<i32>} : memref<128x128xf32, #tpu.memory_space<vmem>>, vector<1x16xf32>,
      %swap3A_356 = vector.shape_cast %swap3A_355 : vector<1x16xf32> to vector<16xf32>
      %swap3A_357 = vector.shape_cast %broadcast_in_dim3A_49 : vector<16xf32> to vector<1x16xf32>
      tpu.vector_store %arg9[%swap3A_353, %swap3A_354], %swap3A_357 {strides = array<i32>} : memref<128x128xf32, #tpu.memory_space<vmem>>, vector<1x16xf32>,
    }
    %scan3A_67 = arith.constant 128 : i32
    %barrier3A = arith.constant 0 : index
    tpu.barrier barrier_id(%barrier3A)
    %mul3A_68 = arith.constant 8192 : i32
    %mul3A_69 = arith.muli %select_n3A_30, %mul3A_68 : i32
    %add3A_70 = arith.constant 0 : i32
    %add3A_71 = arith.addi %mul3A_69, %add3A_70 : i32
    %multiple_of3A = tpu.assume_multiple %add3A_71, 128 : i32
    %dma_start3A = arith.constant 0 : i32
    %dma_start3A_72 = tpu.memref_slice %arg2[%add3A_9, %multiple_of3A, %dma_start3A] : memref<16x16384x32xf32, #tpu.memory_space<hbm>> -> memref<1x128x32xf32, #tpu.memory_space<hbm>>
    %dma_start3A_73 = tpu.memref_squeeze %dma_start3A_72 : memref<1x128x32xf32, #tpu.memory_space<hbm>> -> memref<128x32xf32, #tpu.memory_space<hbm>>
    %dma_start3A_74 = arith.constant 0 : i32
    %dma_start3A_75 = tpu.memref_slice %arg2[%add3A_9, %multiple_of3A, %dma_start3A_74] : memref<16x16384x32xf32, #tpu.memory_space<hbm>> -> memref<1x128x32xf32, #tpu.memory_space<hbm>>
    %dma_start3A_76 = tpu.memref_squeeze %dma_start3A_75 : memref<1x128x32xf32, #tpu.memory_space<hbm>> -> memref<128x32xf32, #tpu.memory_space<hbm>>
    tpu.enqueue_dma source(%dma_start3A_76 : memref<128x32xf32, #tpu.memory_space<hbm>>) target(%arg6 : memref<128x32xf32, #tpu.memory_space<vmem>>) target_semaphore(%arg12 : memref<!tpu.dma_semaphore, #tpu.memory_space<semaphore_mem>>)
    %dma_start3A_77 = tpu.memref_slice %arg3[%add3A_9, %multiple_of3A] : memref<16x16384xi32, #tpu.memory_space<hbm>> -> memref<1x128xi32, #tpu.memory_space<hbm>>
    %dma_start3A_78 = tpu.memref_squeeze %dma_start3A_77 : memref<1x128xi32, #tpu.memory_space<hbm>> -> memref<128xi32, #tpu.memory_space<hbm>>
    %dma_start3A_79 = tpu.memref_slice %arg3[%add3A_9, %multiple_of3A] : memref<16x16384xi32, #tpu.memory_space<hbm>> -> memref<1x128xi32, #tpu.memory_space<hbm>>
    %dma_start3A_80 = tpu.memref_squeeze %dma_start3A_79 : memref<1x128xi32, #tpu.memory_space<hbm>> -> memref<128xi32, #tpu.memory_space<hbm>>
    tpu.enqueue_dma source(%dma_start3A_80 : memref<128xi32, #tpu.memory_space<hbm>>) target(%arg10 : memref<128xi32, #tpu.memory_space<vmem>>) target_semaphore(%arg14 : memref<!tpu.dma_semaphore, #tpu.memory_space<semaphore_mem>>)
    %add3A_81 = arith.constant 0 : i32
    %add3A_82 = arith.addi %mul3A_69, %add3A_81 : i32
    %multiple_of3A_83 = tpu.assume_multiple %add3A_82, 128 : i32
    %dma_wait3A = arith.constant 0 : i32
    %dma_wait3A_84 = tpu.memref_slice %arg2[%add3A_9, %multiple_of3A_83, %dma_wait3A] : memref<16x16384x32xf32, #tpu.memory_space<hbm>> -> memref<1x128x32xf32, #tpu.memory_space<hbm>>
    %dma_wait3A_85 = tpu.memref_squeeze %dma_wait3A_84 : memref<1x128x32xf32, #tpu.memory_space<hbm>> -> memref<128x32xf32, #tpu.memory_space<hbm>>
    %dma_wait3A_86 = arith.constant 0 : i32
    %dma_wait3A_87 = tpu.memref_slice %arg2[%add3A_9, %multiple_of3A_83, %dma_wait3A_86] : memref<16x16384x32xf32, #tpu.memory_space<hbm>> -> memref<1x128x32xf32, #tpu.memory_space<hbm>>
    %dma_wait3A_88 = tpu.memref_squeeze %dma_wait3A_87 : memref<1x128x32xf32, #tpu.memory_space<hbm>> -> memref<128x32xf32, #tpu.memory_space<hbm>>
    tpu.wait_dma2 semaphore(%arg12 : memref<!tpu.dma_semaphore, #tpu.memory_space<semaphore_mem>>) src(%dma_wait3A_88 : memref<128x32xf32, #tpu.memory_space<hbm>>) dst(%arg6 : memref<128x32xf32, #tpu.memory_space<vmem>>)
    %dma_wait3A_89 = tpu.memref_slice %arg3[%add3A_9, %multiple_of3A_83] : memref<16x16384xi32, #tpu.memory_space<hbm>> -> memref<1x128xi32, #tpu.memory_space<hbm>>
    %dma_wait3A_90 = tpu.memref_squeeze %dma_wait3A_89 : memref<1x128xi32, #tpu.memory_space<hbm>> -> memref<128xi32, #tpu.memory_space<hbm>>
    %dma_wait3A_91 = tpu.memref_slice %arg3[%add3A_9, %multiple_of3A_83] : memref<16x16384xi32, #tpu.memory_space<hbm>> -> memref<1x128xi32, #tpu.memory_space<hbm>>
    %dma_wait3A_92 = tpu.memref_squeeze %dma_wait3A_91 : memref<1x128xi32, #tpu.memory_space<hbm>> -> memref<128xi32, #tpu.memory_space<hbm>>
    tpu.wait_dma2 semaphore(%arg14 : memref<!tpu.dma_semaphore, #tpu.memory_space<semaphore_mem>>) src(%dma_wait3A_92 : memref<128xi32, #tpu.memory_space<hbm>>) dst(%arg10 : memref<128xi32, #tpu.memory_space<vmem>>)
    %scan3A_93 = arith.constant 0 : i32
    %scan3A_94 = arith.constant 0 : i32
    %scan3A_95 = arith.constant 128 : i32
    %scan3A_96 = arith.addi %scan3A_94, %scan3A_95 : i32
    %scan3A_97 = arith.constant 1 : i32
    scf.for %scan3A_322 = %scan3A_94 to %scan3A_96 step %scan3A_97  : i32 {
      %get3A_323 = arith.index_cast %scan3A_322 : i32 to index
      %get3A_324 = arith.constant 0 : index
      %get3A_325 = tpu.vector_load %arg6[%get3A_323, %get3A_324] {strides = array<i32>} : memref<128x32xf32, #tpu.memory_space<vmem>>, vector<1x16xf32>,
      %get3A_326 = vector.shape_cast %get3A_325 : vector<1x16xf32> to vector<16xf32>
      %swap3A_327 = arith.index_cast %scan3A_322 : i32 to index
      %swap3A_328 = arith.constant 0 : index
      %swap3A_329 = tpu.vector_load %arg8[%swap3A_327, %swap3A_328] {strides = array<i32>} : memref<128x128xf32, #tpu.memory_space<vmem>>, vector<1x16xf32>,
      %swap3A_330 = vector.shape_cast %swap3A_329 : vector<1x16xf32> to vector<16xf32>
      %swap3A_331 = vector.shape_cast %get3A_326 : vector<16xf32> to vector<1x16xf32>
      tpu.vector_store %arg8[%swap3A_327, %swap3A_328], %swap3A_331 {strides = array<i32>} : memref<128x128xf32, #tpu.memory_space<vmem>>, vector<1x16xf32>,
      %get3A_332 = arith.index_cast %scan3A_322 : i32 to index
      %get3A_333 = arith.constant 16 : index
      %get3A_334 = tpu.vector_load %arg6[%get3A_332, %get3A_333] {strides = array<i32>} : memref<128x32xf32, #tpu.memory_space<vmem>>, vector<1x16xf32>,
      %get3A_335 = vector.shape_cast %get3A_334 : vector<1x16xf32> to vector<16xf32>
      %swap3A_336 = arith.index_cast %scan3A_322 : i32 to index
      %swap3A_337 = arith.constant 16 : index
      %swap3A_338 = tpu.vector_load %arg8[%swap3A_336, %swap3A_337] {strides = array<i32>} : memref<128x128xf32, #tpu.memory_space<vmem>>, vector<1x16xf32>,
      %swap3A_339 = vector.shape_cast %swap3A_338 : vector<1x16xf32> to vector<16xf32>
      %swap3A_340 = vector.shape_cast %get3A_335 : vector<16xf32> to vector<1x16xf32>
      tpu.vector_store %arg8[%swap3A_336, %swap3A_337], %swap3A_340 {strides = array<i32>} : memref<128x128xf32, #tpu.memory_space<vmem>>, vector<1x16xf32>,
    }
    %scan3A_98 = arith.constant 128 : i32
    %get3A = arith.constant 0 : index
    %get3A_99 = tpu.vector_load %arg10[%get3A] {strides = array<i32>} : memref<128xi32, #tpu.memory_space<vmem>>, vector<16xi32>,
    %get3A_100 = vector.shape_cast %get3A_99 : vector<16xi32> to vector<16xi32>
    %add3A_101 = vector.broadcast %mul3A_48 : i32 to vector<16xi32>
    %add3A_102 = arith.addi %get3A_100, %add3A_101 : vector<16xi32>
    %swap3A = arith.constant 0 : index
    %swap3A_103 = tpu.vector_load %arg10[%swap3A] {strides = array<i32>} : memref<128xi32, #tpu.memory_space<vmem>>, vector<16xi32>,
    %swap3A_104 = vector.shape_cast %swap3A_103 : vector<16xi32> to vector<16xi32>
    %swap3A_105 = vector.shape_cast %add3A_102 : vector<16xi32> to vector<16xi32>
    tpu.vector_store %arg10[%swap3A], %swap3A_105 {strides = array<i32>} : memref<128xi32, #tpu.memory_space<vmem>>, vector<16xi32>,
    %get3A_106 = arith.constant 16 : index
    %get3A_107 = tpu.vector_load %arg10[%get3A_106] {strides = array<i32>} : memref<128xi32, #tpu.memory_space<vmem>>, vector<16xi32>,
    %get3A_108 = vector.shape_cast %get3A_107 : vector<16xi32> to vector<16xi32>
    %add3A_109 = vector.broadcast %mul3A_48 : i32 to vector<16xi32>
    %add3A_110 = arith.addi %get3A_108, %add3A_109 : vector<16xi32>
    %swap3A_111 = arith.constant 16 : index
    %swap3A_112 = tpu.vector_load %arg10[%swap3A_111] {strides = array<i32>} : memref<128xi32, #tpu.memory_space<vmem>>, vector<16xi32>,
    %swap3A_113 = vector.shape_cast %swap3A_112 : vector<16xi32> to vector<16xi32>
    %swap3A_114 = vector.shape_cast %add3A_110 : vector<16xi32> to vector<16xi32>
    tpu.vector_store %arg10[%swap3A_111], %swap3A_114 {strides = array<i32>} : memref<128xi32, #tpu.memory_space<vmem>>, vector<16xi32>,
    %get3A_115 = arith.constant 32 : index
    %get3A_116 = tpu.vector_load %arg10[%get3A_115] {strides = array<i32>} : memref<128xi32, #tpu.memory_space<vmem>>, vector<16xi32>,
    %get3A_117 = vector.shape_cast %get3A_116 : vector<16xi32> to vector<16xi32>
    %add3A_118 = vector.broadcast %mul3A_48 : i32 to vector<16xi32>
    %add3A_119 = arith.addi %get3A_117, %add3A_118 : vector<16xi32>
    %swap3A_120 = arith.constant 32 : index
    %swap3A_121 = tpu.vector_load %arg10[%swap3A_120] {strides = array<i32>} : memref<128xi32, #tpu.memory_space<vmem>>, vector<16xi32>,
    %swap3A_122 = vector.shape_cast %swap3A_121 : vector<16xi32> to vector<16xi32>
    %swap3A_123 = vector.shape_cast %add3A_119 : vector<16xi32> to vector<16xi32>
    tpu.vector_store %arg10[%swap3A_120], %swap3A_123 {strides = array<i32>} : memref<128xi32, #tpu.memory_space<vmem>>, vector<16xi32>,
    %get3A_124 = arith.constant 48 : index
    %get3A_125 = tpu.vector_load %arg10[%get3A_124] {strides = array<i32>} : memref<128xi32, #tpu.memory_space<vmem>>, vector<16xi32>,
    %get3A_126 = vector.shape_cast %get3A_125 : vector<16xi32> to vector<16xi32>
    %add3A_127 = vector.broadcast %mul3A_48 : i32 to vector<16xi32>
    %add3A_128 = arith.addi %get3A_126, %add3A_127 : vector<16xi32>
    %swap3A_129 = arith.constant 48 : index
    %swap3A_130 = tpu.vector_load %arg10[%swap3A_129] {strides = array<i32>} : memref<128xi32, #tpu.memory_space<vmem>>, vector<16xi32>,
    %swap3A_131 = vector.shape_cast %swap3A_130 : vector<16xi32> to vector<16xi32>
    %swap3A_132 = vector.shape_cast %add3A_128 : vector<16xi32> to vector<16xi32>
    tpu.vector_store %arg10[%swap3A_129], %swap3A_132 {strides = array<i32>} : memref<128xi32, #tpu.memory_space<vmem>>, vector<16xi32>,
    %get3A_133 = arith.constant 64 : index
    %get3A_134 = tpu.vector_load %arg10[%get3A_133] {strides = array<i32>} : memref<128xi32, #tpu.memory_space<vmem>>, vector<16xi32>,
    %get3A_135 = vector.shape_cast %get3A_134 : vector<16xi32> to vector<16xi32>
    %add3A_136 = vector.broadcast %mul3A_48 : i32 to vector<16xi32>
    %add3A_137 = arith.addi %get3A_135, %add3A_136 : vector<16xi32>
    %swap3A_138 = arith.constant 64 : index
    %swap3A_139 = tpu.vector_load %arg10[%swap3A_138] {strides = array<i32>} : memref<128xi32, #tpu.memory_space<vmem>>, vector<16xi32>,
    %swap3A_140 = vector.shape_cast %swap3A_139 : vector<16xi32> to vector<16xi32>
    %swap3A_141 = vector.shape_cast %add3A_137 : vector<16xi32> to vector<16xi32>
    tpu.vector_store %arg10[%swap3A_138], %swap3A_141 {strides = array<i32>} : memref<128xi32, #tpu.memory_space<vmem>>, vector<16xi32>,
    %get3A_142 = arith.constant 80 : index
    %get3A_143 = tpu.vector_load %arg10[%get3A_142] {strides = array<i32>} : memref<128xi32, #tpu.memory_space<vmem>>, vector<16xi32>,
    %get3A_144 = vector.shape_cast %get3A_143 : vector<16xi32> to vector<16xi32>
    %add3A_145 = vector.broadcast %mul3A_48 : i32 to vector<16xi32>
    %add3A_146 = arith.addi %get3A_144, %add3A_145 : vector<16xi32>
    %swap3A_147 = arith.constant 80 : index
    %swap3A_148 = tpu.vector_load %arg10[%swap3A_147] {strides = array<i32>} : memref<128xi32, #tpu.memory_space<vmem>>, vector<16xi32>,
    %swap3A_149 = vector.shape_cast %swap3A_148 : vector<16xi32> to vector<16xi32>
    %swap3A_150 = vector.shape_cast %add3A_146 : vector<16xi32> to vector<16xi32>
    tpu.vector_store %arg10[%swap3A_147], %swap3A_150 {strides = array<i32>} : memref<128xi32, #tpu.memory_space<vmem>>, vector<16xi32>,
    %get3A_151 = arith.constant 96 : index
    %get3A_152 = tpu.vector_load %arg10[%get3A_151] {strides = array<i32>} : memref<128xi32, #tpu.memory_space<vmem>>, vector<16xi32>,
    %get3A_153 = vector.shape_cast %get3A_152 : vector<16xi32> to vector<16xi32>
    %add3A_154 = vector.broadcast %mul3A_48 : i32 to vector<16xi32>
    %add3A_155 = arith.addi %get3A_153, %add3A_154 : vector<16xi32>
    %swap3A_156 = arith.constant 96 : index
    %swap3A_157 = tpu.vector_load %arg10[%swap3A_156] {strides = array<i32>} : memref<128xi32, #tpu.memory_space<vmem>>, vector<16xi32>,
    %swap3A_158 = vector.shape_cast %swap3A_157 : vector<16xi32> to vector<16xi32>
    %swap3A_159 = vector.shape_cast %add3A_155 : vector<16xi32> to vector<16xi32>
    tpu.vector_store %arg10[%swap3A_156], %swap3A_159 {strides = array<i32>} : memref<128xi32, #tpu.memory_space<vmem>>, vector<16xi32>,
    %get3A_160 = arith.constant 112 : index
    %get3A_161 = tpu.vector_load %arg10[%get3A_160] {strides = array<i32>} : memref<128xi32, #tpu.memory_space<vmem>>, vector<16xi32>,
    %get3A_162 = vector.shape_cast %get3A_161 : vector<16xi32> to vector<16xi32>
    %add3A_163 = vector.broadcast %mul3A_48 : i32 to vector<16xi32>
    %add3A_164 = arith.addi %get3A_162, %add3A_163 : vector<16xi32>
    %swap3A_165 = arith.constant 112 : index
    %swap3A_166 = tpu.vector_load %arg10[%swap3A_165] {strides = array<i32>} : memref<128xi32, #tpu.memory_space<vmem>>, vector<16xi32>,
    %swap3A_167 = vector.shape_cast %swap3A_166 : vector<16xi32> to vector<16xi32>
    %swap3A_168 = vector.shape_cast %add3A_164 : vector<16xi32> to vector<16xi32>
    tpu.vector_store %arg10[%swap3A_165], %swap3A_168 {strides = array<i32>} : memref<128xi32, #tpu.memory_space<vmem>>, vector<16xi32>,
    %dma_start3A_169 = arith.constant 0 : i32
    %dma_start3A_170 = arith.constant 0 : i32
    %dma_start3A_171 = tpu.memref_slice %arg18[%dma_start3A_169, %dma_start3A_170] : memref<2048x128xf32, #tpu.memory_space<vmem_shared>> -> memref<2048x128xf32, #tpu.memory_space<vmem_shared>>
    tpu.enqueue_indirect_dma source(%arg8 : memref<128x128xf32, #tpu.memory_space<vmem>>) target(%dma_start3A_171 : memref<2048x128xf32, #tpu.memory_space<vmem_shared>>) offsets(%arg10 : memref<128xi32, #tpu.memory_space<vmem>>) semaphore(%arg16 : memref<!tpu.dma_semaphore, #tpu.memory_space<semaphore_mem>>) {add = true}
    %add3A_172 = arith.constant 128 : i32
    %add3A_173 = arith.addi %mul3A_69, %add3A_172 : i32
    %multiple_of3A_174 = tpu.assume_multiple %add3A_173, 128 : i32
    %dma_start3A_175 = arith.constant 0 : i32
    %dma_start3A_176 = tpu.memref_slice %arg2[%add3A_9, %multiple_of3A_174, %dma_start3A_175] : memref<16x16384x32xf32, #tpu.memory_space<hbm>> -> memref<1x128x32xf32, #tpu.memory_space<hbm>>
    %dma_start3A_177 = tpu.memref_squeeze %dma_start3A_176 : memref<1x128x32xf32, #tpu.memory_space<hbm>> -> memref<128x32xf32, #tpu.memory_space<hbm>>
    %dma_start3A_178 = arith.constant 0 : i32
    %dma_start3A_179 = tpu.memref_slice %arg2[%add3A_9, %multiple_of3A_174, %dma_start3A_178] : memref<16x16384x32xf32, #tpu.memory_space<hbm>> -> memref<1x128x32xf32, #tpu.memory_space<hbm>>
    %dma_start3A_180 = tpu.memref_squeeze %dma_start3A_179 : memref<1x128x32xf32, #tpu.memory_space<hbm>> -> memref<128x32xf32, #tpu.memory_space<hbm>>
    tpu.enqueue_dma source(%dma_start3A_180 : memref<128x32xf32, #tpu.memory_space<hbm>>) target(%arg7 : memref<128x32xf32, #tpu.memory_space<vmem>>) target_semaphore(%arg13 : memref<!tpu.dma_semaphore, #tpu.memory_space<semaphore_mem>>)
    %dma_start3A_181 = tpu.memref_slice %arg3[%add3A_9, %multiple_of3A_174] : memref<16x16384xi32, #tpu.memory_space<hbm>> -> memref<1x128xi32, #tpu.memory_space<hbm>>
    %dma_start3A_182 = tpu.memref_squeeze %dma_start3A_181 : memref<1x128xi32, #tpu.memory_space<hbm>> -> memref<128xi32, #tpu.memory_space<hbm>>
    %dma_start3A_183 = tpu.memref_slice %arg3[%add3A_9, %multiple_of3A_174] : memref<16x16384xi32, #tpu.memory_space<hbm>> -> memref<1x128xi32, #tpu.memory_space<hbm>>
    %dma_start3A_184 = tpu.memref_squeeze %dma_start3A_183 : memref<1x128xi32, #tpu.memory_space<hbm>> -> memref<128xi32, #tpu.memory_space<hbm>>
    tpu.enqueue_dma source(%dma_start3A_184 : memref<128xi32, #tpu.memory_space<hbm>>) target(%arg11 : memref<128xi32, #tpu.memory_space<vmem>>) target_semaphore(%arg15 : memref<!tpu.dma_semaphore, #tpu.memory_space<semaphore_mem>>)
    %add3A_185 = arith.constant 128 : i32
    %add3A_186 = arith.addi %mul3A_69, %add3A_185 : i32
    %multiple_of3A_187 = tpu.assume_multiple %add3A_186, 128 : i32
    %dma_wait3A_188 = arith.constant 0 : i32
    %dma_wait3A_189 = tpu.memref_slice %arg2[%add3A_9, %multiple_of3A_187, %dma_wait3A_188] : memref<16x16384x32xf32, #tpu.memory_space<hbm>> -> memref<1x128x32xf32, #tpu.memory_space<hbm>>
    %dma_wait3A_190 = tpu.memref_squeeze %dma_wait3A_189 : memref<1x128x32xf32, #tpu.memory_space<hbm>> -> memref<128x32xf32, #tpu.memory_space<hbm>>
    %dma_wait3A_191 = arith.constant 0 : i32
    %dma_wait3A_192 = tpu.memref_slice %arg2[%add3A_9, %multiple_of3A_187, %dma_wait3A_191] : memref<16x16384x32xf32, #tpu.memory_space<hbm>> -> memref<1x128x32xf32, #tpu.memory_space<hbm>>
    %dma_wait3A_193 = tpu.memref_squeeze %dma_wait3A_192 : memref<1x128x32xf32, #tpu.memory_space<hbm>> -> memref<128x32xf32, #tpu.memory_space<hbm>>
    tpu.wait_dma2 semaphore(%arg13 : memref<!tpu.dma_semaphore, #tpu.memory_space<semaphore_mem>>) src(%dma_wait3A_193 : memref<128x32xf32, #tpu.memory_space<hbm>>) dst(%arg7 : memref<128x32xf32, #tpu.memory_space<vmem>>)
    %dma_wait3A_194 = tpu.memref_slice %arg3[%add3A_9, %multiple_of3A_187] : memref<16x16384xi32, #tpu.memory_space<hbm>> -> memref<1x128xi32, #tpu.memory_space<hbm>>
    %dma_wait3A_195 = tpu.memref_squeeze %dma_wait3A_194 : memref<1x128xi32, #tpu.memory_space<hbm>> -> memref<128xi32, #tpu.memory_space<hbm>>
    %dma_wait3A_196 = tpu.memref_slice %arg3[%add3A_9, %multiple_of3A_187] : memref<16x16384xi32, #tpu.memory_space<hbm>> -> memref<1x128xi32, #tpu.memory_space<hbm>>
    %dma_wait3A_197 = tpu.memref_squeeze %dma_wait3A_196 : memref<1x128xi32, #tpu.memory_space<hbm>> -> memref<128xi32, #tpu.memory_space<hbm>>
    tpu.wait_dma2 semaphore(%arg15 : memref<!tpu.dma_semaphore, #tpu.memory_space<semaphore_mem>>) src(%dma_wait3A_197 : memref<128xi32, #tpu.memory_space<hbm>>) dst(%arg11 : memref<128xi32, #tpu.memory_space<vmem>>)
    %scan3A_198 = arith.constant 0 : i32
    %scan3A_199 = arith.constant 0 : i32
    %scan3A_200 = arith.constant 128 : i32
    %scan3A_201 = arith.addi %scan3A_199, %scan3A_200 : i32
    %scan3A_202 = arith.constant 1 : i32
    scf.for %scan3A_322 = %scan3A_199 to %scan3A_201 step %scan3A_202  : i32 {
      %get3A_323 = arith.index_cast %scan3A_322 : i32 to index
      %get3A_324 = arith.constant 0 : index
      %get3A_325 = tpu.vector_load %arg7[%get3A_323, %get3A_324] {strides = array<i32>} : memref<128x32xf32, #tpu.memory_space<vmem>>, vector<1x16xf32>,
      %get3A_326 = vector.shape_cast %get3A_325 : vector<1x16xf32> to vector<16xf32>
      %swap3A_327 = arith.index_cast %scan3A_322 : i32 to index
      %swap3A_328 = arith.constant 0 : index
      %swap3A_329 = tpu.vector_load %arg9[%swap3A_327, %swap3A_328] {strides = array<i32>} : memref<128x128xf32, #tpu.memory_space<vmem>>, vector<1x16xf32>,
      %swap3A_330 = vector.shape_cast %swap3A_329 : vector<1x16xf32> to vector<16xf32>
      %swap3A_331 = vector.shape_cast %get3A_326 : vector<16xf32> to vector<1x16xf32>
      tpu.vector_store %arg9[%swap3A_327, %swap3A_328], %swap3A_331 {strides = array<i32>} : memref<128x128xf32, #tpu.memory_space<vmem>>, vector<1x16xf32>,
      %get3A_332 = arith.index_cast %scan3A_322 : i32 to index
      %get3A_333 = arith.constant 16 : index
      %get3A_334 = tpu.vector_load %arg7[%get3A_332, %get3A_333] {strides = array<i32>} : memref<128x32xf32, #tpu.memory_space<vmem>>, vector<1x16xf32>,
      %get3A_335 = vector.shape_cast %get3A_334 : vector<1x16xf32> to vector<16xf32>
      %swap3A_336 = arith.index_cast %scan3A_322 : i32 to index
      %swap3A_337 = arith.constant 16 : index
      %swap3A_338 = tpu.vector_load %arg9[%swap3A_336, %swap3A_337] {strides = array<i32>} : memref<128x128xf32, #tpu.memory_space<vmem>>, vector<1x16xf32>,
      %swap3A_339 = vector.shape_cast %swap3A_338 : vector<1x16xf32> to vector<16xf32>
      %swap3A_340 = vector.shape_cast %get3A_335 : vector<16xf32> to vector<1x16xf32>
      tpu.vector_store %arg9[%swap3A_336, %swap3A_337], %swap3A_340 {strides = array<i32>} : memref<128x128xf32, #tpu.memory_space<vmem>>, vector<1x16xf32>,
    }
    %scan3A_203 = arith.constant 128 : i32
    %get3A_204 = arith.constant 0 : index
    %get3A_205 = tpu.vector_load %arg11[%get3A_204] {strides = array<i32>} : memref<128xi32, #tpu.memory_space<vmem>>, vector<16xi32>,
    %get3A_206 = vector.shape_cast %get3A_205 : vector<16xi32> to vector<16xi32>
    %add3A_207 = vector.broadcast %mul3A_48 : i32 to vector<16xi32>
    %add3A_208 = arith.addi %get3A_206, %add3A_207 : vector<16xi32>
    %swap3A_209 = arith.constant 0 : index
    %swap3A_210 = tpu.vector_load %arg11[%swap3A_209] {strides = array<i32>} : memref<128xi32, #tpu.memory_space<vmem>>, vector<16xi32>,
    %swap3A_211 = vector.shape_cast %swap3A_210 : vector<16xi32> to vector<16xi32>
    %swap3A_212 = vector.shape_cast %add3A_208 : vector<16xi32> to vector<16xi32>
    tpu.vector_store %arg11[%swap3A_209], %swap3A_212 {strides = array<i32>} : memref<128xi32, #tpu.memory_space<vmem>>, vector<16xi32>,
    %get3A_213 = arith.constant 16 : index
    %get3A_214 = tpu.vector_load %arg11[%get3A_213] {strides = array<i32>} : memref<128xi32, #tpu.memory_space<vmem>>, vector<16xi32>,
    %get3A_215 = vector.shape_cast %get3A_214 : vector<16xi32> to vector<16xi32>
    %add3A_216 = vector.broadcast %mul3A_48 : i32 to vector<16xi32>
    %add3A_217 = arith.addi %get3A_215, %add3A_216 : vector<16xi32>
    %swap3A_218 = arith.constant 16 : index
    %swap3A_219 = tpu.vector_load %arg11[%swap3A_218] {strides = array<i32>} : memref<128xi32, #tpu.memory_space<vmem>>, vector<16xi32>,
    %swap3A_220 = vector.shape_cast %swap3A_219 : vector<16xi32> to vector<16xi32>
    %swap3A_221 = vector.shape_cast %add3A_217 : vector<16xi32> to vector<16xi32>
    tpu.vector_store %arg11[%swap3A_218], %swap3A_221 {strides = array<i32>} : memref<128xi32, #tpu.memory_space<vmem>>, vector<16xi32>,
    %get3A_222 = arith.constant 32 : index
    %get3A_223 = tpu.vector_load %arg11[%get3A_222] {strides = array<i32>} : memref<128xi32, #tpu.memory_space<vmem>>, vector<16xi32>,
    %get3A_224 = vector.shape_cast %get3A_223 : vector<16xi32> to vector<16xi32>
    %add3A_225 = vector.broadcast %mul3A_48 : i32 to vector<16xi32>
    %add3A_226 = arith.addi %get3A_224, %add3A_225 : vector<16xi32>
    %swap3A_227 = arith.constant 32 : index
    %swap3A_228 = tpu.vector_load %arg11[%swap3A_227] {strides = array<i32>} : memref<128xi32, #tpu.memory_space<vmem>>, vector<16xi32>,
    %swap3A_229 = vector.shape_cast %swap3A_228 : vector<16xi32> to vector<16xi32>
    %swap3A_230 = vector.shape_cast %add3A_226 : vector<16xi32> to vector<16xi32>
    tpu.vector_store %arg11[%swap3A_227], %swap3A_230 {strides = array<i32>} : memref<128xi32, #tpu.memory_space<vmem>>, vector<16xi32>,
    %get3A_231 = arith.constant 48 : index
    %get3A_232 = tpu.vector_load %arg11[%get3A_231] {strides = array<i32>} : memref<128xi32, #tpu.memory_space<vmem>>, vector<16xi32>,
    %get3A_233 = vector.shape_cast %get3A_232 : vector<16xi32> to vector<16xi32>
    %add3A_234 = vector.broadcast %mul3A_48 : i32 to vector<16xi32>
    %add3A_235 = arith.addi %get3A_233, %add3A_234 : vector<16xi32>
    %swap3A_236 = arith.constant 48 : index
    %swap3A_237 = tpu.vector_load %arg11[%swap3A_236] {strides = array<i32>} : memref<128xi32, #tpu.memory_space<vmem>>, vector<16xi32>,
    %swap3A_238 = vector.shape_cast %swap3A_237 : vector<16xi32> to vector<16xi32>
    %swap3A_239 = vector.shape_cast %add3A_235 : vector<16xi32> to vector<16xi32>
    tpu.vector_store %arg11[%swap3A_236], %swap3A_239 {strides = array<i32>} : memref<128xi32, #tpu.memory_space<vmem>>, vector<16xi32>,
    %get3A_240 = arith.constant 64 : index
    %get3A_241 = tpu.vector_load %arg11[%get3A_240] {strides = array<i32>} : memref<128xi32, #tpu.memory_space<vmem>>, vector<16xi32>,
    %get3A_242 = vector.shape_cast %get3A_241 : vector<16xi32> to vector<16xi32>
    %add3A_243 = vector.broadcast %mul3A_48 : i32 to vector<16xi32>
    %add3A_244 = arith.addi %get3A_242, %add3A_243 : vector<16xi32>
    %swap3A_245 = arith.constant 64 : index
    %swap3A_246 = tpu.vector_load %arg11[%swap3A_245] {strides = array<i32>} : memref<128xi32, #tpu.memory_space<vmem>>, vector<16xi32>,
    %swap3A_247 = vector.shape_cast %swap3A_246 : vector<16xi32> to vector<16xi32>
    %swap3A_248 = vector.shape_cast %add3A_244 : vector<16xi32> to vector<16xi32>
    tpu.vector_store %arg11[%swap3A_245], %swap3A_248 {strides = array<i32>} : memref<128xi32, #tpu.memory_space<vmem>>, vector<16xi32>,
    %get3A_249 = arith.constant 80 : index
    %get3A_250 = tpu.vector_load %arg11[%get3A_249] {strides = array<i32>} : memref<128xi32, #tpu.memory_space<vmem>>, vector<16xi32>,
    %get3A_251 = vector.shape_cast %get3A_250 : vector<16xi32> to vector<16xi32>
    %add3A_252 = vector.broadcast %mul3A_48 : i32 to vector<16xi32>
    %add3A_253 = arith.addi %get3A_251, %add3A_252 : vector<16xi32>
    %swap3A_254 = arith.constant 80 : index
    %swap3A_255 = tpu.vector_load %arg11[%swap3A_254] {strides = array<i32>} : memref<128xi32, #tpu.memory_space<vmem>>, vector<16xi32>,
    %swap3A_256 = vector.shape_cast %swap3A_255 : vector<16xi32> to vector<16xi32>
    %swap3A_257 = vector.shape_cast %add3A_253 : vector<16xi32> to vector<16xi32>
    tpu.vector_store %arg11[%swap3A_254], %swap3A_257 {strides = array<i32>} : memref<128xi32, #tpu.memory_space<vmem>>, vector<16xi32>,
    %get3A_258 = arith.constant 96 : index
    %get3A_259 = tpu.vector_load %arg11[%get3A_258] {strides = array<i32>} : memref<128xi32, #tpu.memory_space<vmem>>, vector<16xi32>,
    %get3A_260 = vector.shape_cast %get3A_259 : vector<16xi32> to vector<16xi32>
    %add3A_261 = vector.broadcast %mul3A_48 : i32 to vector<16xi32>
    %add3A_262 = arith.addi %get3A_260, %add3A_261 : vector<16xi32>
    %swap3A_263 = arith.constant 96 : index
    %swap3A_264 = tpu.vector_load %arg11[%swap3A_263] {strides = array<i32>} : memref<128xi32, #tpu.memory_space<vmem>>, vector<16xi32>,
    %swap3A_265 = vector.shape_cast %swap3A_264 : vector<16xi32> to vector<16xi32>
    %swap3A_266 = vector.shape_cast %add3A_262 : vector<16xi32> to vector<16xi32>
    tpu.vector_store %arg11[%swap3A_263], %swap3A_266 {strides = array<i32>} : memref<128xi32, #tpu.memory_space<vmem>>, vector<16xi32>,
    %get3A_267 = arith.constant 112 : index
    %get3A_268 = tpu.vector_load %arg11[%get3A_267] {strides = array<i32>} : memref<128xi32, #tpu.memory_space<vmem>>, vector<16xi32>,
    %get3A_269 = vector.shape_cast %get3A_268 : vector<16xi32> to vector<16xi32>
    %add3A_270 = vector.broadcast %mul3A_48 : i32 to vector<16xi32>
    %add3A_271 = arith.addi %get3A_269, %add3A_270 : vector<16xi32>
    %swap3A_272 = arith.constant 112 : index
    %swap3A_273 = tpu.vector_load %arg11[%swap3A_272] {strides = array<i32>} : memref<128xi32, #tpu.memory_space<vmem>>, vector<16xi32>,
    %swap3A_274 = vector.shape_cast %swap3A_273 : vector<16xi32> to vector<16xi32>
    %swap3A_275 = vector.shape_cast %add3A_271 : vector<16xi32> to vector<16xi32>
    tpu.vector_store %arg11[%swap3A_272], %swap3A_275 {strides = array<i32>} : memref<128xi32, #tpu.memory_space<vmem>>, vector<16xi32>,
    %dma_start3A_276 = arith.constant 0 : i32
    %dma_start3A_277 = arith.constant 0 : i32
    %dma_start3A_278 = tpu.memref_slice %arg18[%dma_start3A_276, %dma_start3A_277] : memref<2048x128xf32, #tpu.memory_space<vmem_shared>> -> memref<2048x128xf32, #tpu.memory_space<vmem_shared>>
    tpu.enqueue_indirect_dma source(%arg9 : memref<128x128xf32, #tpu.memory_space<vmem>>) target(%dma_start3A_278 : memref<2048x128xf32, #tpu.memory_space<vmem_shared>>) offsets(%arg11 : memref<128xi32, #tpu.memory_space<vmem>>) semaphore(%arg17 : memref<!tpu.dma_semaphore, #tpu.memory_space<semaphore_mem>>) {add = true}
    %dma_wait3A_279 = arith.constant 0 : i32
    %dma_wait3A_280 = arith.constant 0 : i32
    %dma_wait3A_281 = tpu.memref_slice %arg18[%dma_wait3A_279, %dma_wait3A_280] : memref<2048x128xf32, #tpu.memory_space<vmem_shared>> -> memref<2048x128xf32, #tpu.memory_space<vmem_shared>>
    tpu.wait_indirect_dma semaphore(%arg16 : memref<!tpu.dma_semaphore, #tpu.memory_space<semaphore_mem>>) src(%arg8 : memref<128x128xf32, #tpu.memory_space<vmem>>) dst(%dma_wait3A_281 : memref<2048x128xf32, #tpu.memory_space<vmem_shared>>)
    %add3A_282 = arith.constant 256 : i32
    %add3A_283 = arith.addi %mul3A_69, %add3A_282 : i32
    %multiple_of3A_284 = tpu.assume_multiple %add3A_283, 128 : i32
    %dma_start3A_285 = arith.constant 0 : i32
    %dma_start3A_286 = tpu.memref_slice %arg2[%add3A_9, %multiple_of3A_284, %dma_start3A_285] : memref<16x16384x32xf32, #tpu.memory_space<hbm>> -> memref<1x128x32xf32, #tpu.memory_space<hbm>>
    %dma_start3A_287 = tpu.memref_squeeze %dma_start3A_286 : memref<1x128x32xf32, #tpu.memory_space<hbm>> -> memref<128x32xf32, #tpu.memory_space<hbm>>
    %dma_start3A_288 = arith.constant 0 : i32
    %dma_start3A_289 = tpu.memref_slice %arg2[%add3A_9, %multiple_of3A_284, %dma_start3A_288] : memref<16x16384x32xf32, #tpu.memory_space<hbm>> -> memref<1x128x32xf32, #tpu.memory_space<hbm>>
    %dma_start3A_290 = tpu.memref_squeeze %dma_start3A_289 : memref<1x128x32xf32, #tpu.memory_space<hbm>> -> memref<128x32xf32, #tpu.memory_space<hbm>>
    tpu.enqueue_dma source(%dma_start3A_290 : memref<128x32xf32, #tpu.memory_space<hbm>>) target(%arg6 : memref<128x32xf32, #tpu.memory_space<vmem>>) target_semaphore(%arg12 : memref<!tpu.dma_semaphore, #tpu.memory_space<semaphore_mem>>)
    %dma_start3A_291 = tpu.memref_slice %arg3[%add3A_9, %multiple_of3A_284] : memref<16x16384xi32, #tpu.memory_space<hbm>> -> memref<1x128xi32, #tpu.memory_space<hbm>>
    %dma_start3A_292 = tpu.memref_squeeze %dma_start3A_291 : memref<1x128xi32, #tpu.memory_space<hbm>> -> memref<128xi32, #tpu.memory_space<hbm>>
    %dma_start3A_293 = tpu.memref_slice %arg3[%add3A_9, %multiple_of3A_284] : memref<16x16384xi32, #tpu.memory_space<hbm>> -> memref<1x128xi32, #tpu.memory_space<hbm>>
    %dma_start3A_294 = tpu.memref_squeeze %dma_start3A_293 : memref<1x128xi32, #tpu.memory_space<hbm>> -> memref<128xi32, #tpu.memory_space<hbm>>
    tpu.enqueue_dma source(%dma_start3A_294 : memref<128xi32, #tpu.memory_space<hbm>>) target(%arg10 : memref<128xi32, #tpu.memory_space<vmem>>) target_semaphore(%arg14 : memref<!tpu.dma_semaphore, #tpu.memory_space<semaphore_mem>>)
    %scan3A_295 = arith.constant 0 : i32
    %scan3A_296 = arith.constant 0 : i32
    %scan3A_297 = arith.constant 31 : i32
    %scan3A_298 = arith.addi %scan3A_296, %scan3A_297 : i32
    %scan3A_299 = arith.constant 1 : i32
    scf.for %scan3A_322 = %scan3A_296 to %scan3A_298 step %scan3A_299  : i32 {
      %mul3A_323 = arith.constant 2 : i32
      %mul3A_324 = arith.muli %scan3A_322, %mul3A_323 : i32
      %add3A_325 = arith.constant 2 : i32
      %add3A_326 = arith.addi %add3A_325, %mul3A_324 : i32
      %mul3A_327 = arith.constant 128 : i32
      %mul3A_328 = arith.muli %add3A_326, %mul3A_327 : i32
      %add3A_329 = arith.addi %mul3A_69, %mul3A_328 : i32
      %multiple_of3A_330 = tpu.assume_multiple %add3A_329, 128 : i32
      %dma_wait3A_331 = arith.constant 0 : i32
      %dma_wait3A_332 = tpu.memref_slice %arg2[%add3A_9, %multiple_of3A_330, %dma_wait3A_331] : memref<16x16384x32xf32, #tpu.memory_space<hbm>> -> memref<1x128x32xf32, #tpu.memory_space<hbm>>
      %dma_wait3A_333 = tpu.memref_squeeze %dma_wait3A_332 : memref<1x128x32xf32, #tpu.memory_space<hbm>> -> memref<128x32xf32, #tpu.memory_space<hbm>>
      %dma_wait3A_334 = arith.constant 0 : i32
      %dma_wait3A_335 = tpu.memref_slice %arg2[%add3A_9, %multiple_of3A_330, %dma_wait3A_334] : memref<16x16384x32xf32, #tpu.memory_space<hbm>> -> memref<1x128x32xf32, #tpu.memory_space<hbm>>
      %dma_wait3A_336 = tpu.memref_squeeze %dma_wait3A_335 : memref<1x128x32xf32, #tpu.memory_space<hbm>> -> memref<128x32xf32, #tpu.memory_space<hbm>>
      tpu.wait_dma2 semaphore(%arg12 : memref<!tpu.dma_semaphore, #tpu.memory_space<semaphore_mem>>) src(%dma_wait3A_336 : memref<128x32xf32, #tpu.memory_space<hbm>>) dst(%arg6 : memref<128x32xf32, #tpu.memory_space<vmem>>)
      %dma_wait3A_337 = tpu.memref_slice %arg3[%add3A_9, %multiple_of3A_330] : memref<16x16384xi32, #tpu.memory_space<hbm>> -> memref<1x128xi32, #tpu.memory_space<hbm>>
      %dma_wait3A_338 = tpu.memref_squeeze %dma_wait3A_337 : memref<1x128xi32, #tpu.memory_space<hbm>> -> memref<128xi32, #tpu.memory_space<hbm>>
      %dma_wait3A_339 = tpu.memref_slice %arg3[%add3A_9, %multiple_of3A_330] : memref<16x16384xi32, #tpu.memory_space<hbm>> -> memref<1x128xi32, #tpu.memory_space<hbm>>
      %dma_wait3A_340 = tpu.memref_squeeze %dma_wait3A_339 : memref<1x128xi32, #tpu.memory_space<hbm>> -> memref<128xi32, #tpu.memory_space<hbm>>
      tpu.wait_dma2 semaphore(%arg14 : memref<!tpu.dma_semaphore, #tpu.memory_space<semaphore_mem>>) src(%dma_wait3A_340 : memref<128xi32, #tpu.memory_space<hbm>>) dst(%arg10 : memref<128xi32, #tpu.memory_space<vmem>>)
      %scan3A_341 = arith.constant 0 : i32
      %scan3A_342 = arith.constant 0 : i32
      %scan3A_343 = arith.constant 128 : i32
      %scan3A_344 = arith.addi %scan3A_342, %scan3A_343 : i32
      %scan3A_345 = arith.constant 1 : i32
      scf.for %scan3A_531 = %scan3A_342 to %scan3A_344 step %scan3A_345  : i32 {
        %get3A_532 = arith.index_cast %scan3A_531 : i32 to index
        %get3A_533 = arith.constant 0 : index
        %get3A_534 = tpu.vector_load %arg6[%get3A_532, %get3A_533] {strides = array<i32>} : memref<128x32xf32, #tpu.memory_space<vmem>>, vector<1x16xf32>,
        %get3A_535 = vector.shape_cast %get3A_534 : vector<1x16xf32> to vector<16xf32>
        %swap3A_536 = arith.index_cast %scan3A_531 : i32 to index
        %swap3A_537 = arith.constant 0 : index
        %swap3A_538 = tpu.vector_load %arg8[%swap3A_536, %swap3A_537] {strides = array<i32>} : memref<128x128xf32, #tpu.memory_space<vmem>>, vector<1x16xf32>,
        %swap3A_539 = vector.shape_cast %swap3A_538 : vector<1x16xf32> to vector<16xf32>
        %swap3A_540 = vector.shape_cast %get3A_535 : vector<16xf32> to vector<1x16xf32>
        tpu.vector_store %arg8[%swap3A_536, %swap3A_537], %swap3A_540 {strides = array<i32>} : memref<128x128xf32, #tpu.memory_space<vmem>>, vector<1x16xf32>,
        %get3A_541 = arith.index_cast %scan3A_531 : i32 to index
        %get3A_542 = arith.constant 16 : index
        %get3A_543 = tpu.vector_load %arg6[%get3A_541, %get3A_542] {strides = array<i32>} : memref<128x32xf32, #tpu.memory_space<vmem>>, vector<1x16xf32>,
        %get3A_544 = vector.shape_cast %get3A_543 : vector<1x16xf32> to vector<16xf32>
        %swap3A_545 = arith.index_cast %scan3A_531 : i32 to index
        %swap3A_546 = arith.constant 16 : index
        %swap3A_547 = tpu.vector_load %arg8[%swap3A_545, %swap3A_546] {strides = array<i32>} : memref<128x128xf32, #tpu.memory_space<vmem>>, vector<1x16xf32>,
        %swap3A_548 = vector.shape_cast %swap3A_547 : vector<1x16xf32> to vector<16xf32>
        %swap3A_549 = vector.shape_cast %get3A_544 : vector<16xf32> to vector<1x16xf32>
        tpu.vector_store %arg8[%swap3A_545, %swap3A_546], %swap3A_549 {strides = array<i32>} : memref<128x128xf32, #tpu.memory_space<vmem>>, vector<1x16xf32>,
      }
      %scan3A_346 = arith.constant 128 : i32
      %get3A_347 = arith.constant 0 : index
      %get3A_348 = tpu.vector_load %arg10[%get3A_347] {strides = array<i32>} : memref<128xi32, #tpu.memory_space<vmem>>, vector<16xi32>,
      %get3A_349 = vector.shape_cast %get3A_348 : vector<16xi32> to vector<16xi32>
      %add3A_350 = vector.broadcast %mul3A_48 : i32 to vector<16xi32>
      %add3A_351 = arith.addi %get3A_349, %add3A_350 : vector<16xi32>
      %swap3A_352 = arith.constant 0 : index
      %swap3A_353 = tpu.vector_load %arg10[%swap3A_352] {strides = array<i32>} : memref<128xi32, #tpu.memory_space<vmem>>, vector<16xi32>,
      %swap3A_354 = vector.shape_cast %swap3A_353 : vector<16xi32> to vector<16xi32>
      %swap3A_355 = vector.shape_cast %add3A_351 : vector<16xi32> to vector<16xi32>
      tpu.vector_store %arg10[%swap3A_352], %swap3A_355 {strides = array<i32>} : memref<128xi32, #tpu.memory_space<vmem>>, vector<16xi32>,
      %get3A_356 = arith.constant 16 : index
      %get3A_357 = tpu.vector_load %arg10[%get3A_356] {strides = array<i32>} : memref<128xi32, #tpu.memory_space<vmem>>, vector<16xi32>,
      %get3A_358 = vector.shape_cast %get3A_357 : vector<16xi32> to vector<16xi32>
      %add3A_359 = vector.broadcast %mul3A_48 : i32 to vector<16xi32>
      %add3A_360 = arith.addi %get3A_358, %add3A_359 : vector<16xi32>
      %swap3A_361 = arith.constant 16 : index
      %swap3A_362 = tpu.vector_load %arg10[%swap3A_361] {strides = array<i32>} : memref<128xi32, #tpu.memory_space<vmem>>, vector<16xi32>,
      %swap3A_363 = vector.shape_cast %swap3A_362 : vector<16xi32> to vector<16xi32>
      %swap3A_364 = vector.shape_cast %add3A_360 : vector<16xi32> to vector<16xi32>
      tpu.vector_store %arg10[%swap3A_361], %swap3A_364 {strides = array<i32>} : memref<128xi32, #tpu.memory_space<vmem>>, vector<16xi32>,
      %get3A_365 = arith.constant 32 : index
      %get3A_366 = tpu.vector_load %arg10[%get3A_365] {strides = array<i32>} : memref<128xi32, #tpu.memory_space<vmem>>, vector<16xi32>,
      %get3A_367 = vector.shape_cast %get3A_366 : vector<16xi32> to vector<16xi32>
      %add3A_368 = vector.broadcast %mul3A_48 : i32 to vector<16xi32>
      %add3A_369 = arith.addi %get3A_367, %add3A_368 : vector<16xi32>
      %swap3A_370 = arith.constant 32 : index
      %swap3A_371 = tpu.vector_load %arg10[%swap3A_370] {strides = array<i32>} : memref<128xi32, #tpu.memory_space<vmem>>, vector<16xi32>,
      %swap3A_372 = vector.shape_cast %swap3A_371 : vector<16xi32> to vector<16xi32>
      %swap3A_373 = vector.shape_cast %add3A_369 : vector<16xi32> to vector<16xi32>
      tpu.vector_store %arg10[%swap3A_370], %swap3A_373 {strides = array<i32>} : memref<128xi32, #tpu.memory_space<vmem>>, vector<16xi32>,
      %get3A_374 = arith.constant 48 : index
      %get3A_375 = tpu.vector_load %arg10[%get3A_374] {strides = array<i32>} : memref<128xi32, #tpu.memory_space<vmem>>, vector<16xi32>,
      %get3A_376 = vector.shape_cast %get3A_375 : vector<16xi32> to vector<16xi32>
      %add3A_377 = vector.broadcast %mul3A_48 : i32 to vector<16xi32>
      %add3A_378 = arith.addi %get3A_376, %add3A_377 : vector<16xi32>
      %swap3A_379 = arith.constant 48 : index
      %swap3A_380 = tpu.vector_load %arg10[%swap3A_379] {strides = array<i32>} : memref<128xi32, #tpu.memory_space<vmem>>, vector<16xi32>,
      %swap3A_381 = vector.shape_cast %swap3A_380 : vector<16xi32> to vector<16xi32>
      %swap3A_382 = vector.shape_cast %add3A_378 : vector<16xi32> to vector<16xi32>
      tpu.vector_store %arg10[%swap3A_379], %swap3A_382 {strides = array<i32>} : memref<128xi32, #tpu.memory_space<vmem>>, vector<16xi32>,
      %get3A_383 = arith.constant 64 : index
      %get3A_384 = tpu.vector_load %arg10[%get3A_383] {strides = array<i32>} : memref<128xi32, #tpu.memory_space<vmem>>, vector<16xi32>,
      %get3A_385 = vector.shape_cast %get3A_384 : vector<16xi32> to vector<16xi32>
      %add3A_386 = vector.broadcast %mul3A_48 : i32 to vector<16xi32>
      %add3A_387 = arith.addi %get3A_385, %add3A_386 : vector<16xi32>
      %swap3A_388 = arith.constant 64 : index
      %swap3A_389 = tpu.vector_load %arg10[%swap3A_388] {strides = array<i32>} : memref<128xi32, #tpu.memory_space<vmem>>, vector<16xi32>,
      %swap3A_390 = vector.shape_cast %swap3A_389 : vector<16xi32> to vector<16xi32>
      %swap3A_391 = vector.shape_cast %add3A_387 : vector<16xi32> to vector<16xi32>
      tpu.vector_store %arg10[%swap3A_388], %swap3A_391 {strides = array<i32>} : memref<128xi32, #tpu.memory_space<vmem>>, vector<16xi32>,
      %get3A_392 = arith.constant 80 : index
      %get3A_393 = tpu.vector_load %arg10[%get3A_392] {strides = array<i32>} : memref<128xi32, #tpu.memory_space<vmem>>, vector<16xi32>,
      %get3A_394 = vector.shape_cast %get3A_393 : vector<16xi32> to vector<16xi32>
      %add3A_395 = vector.broadcast %mul3A_48 : i32 to vector<16xi32>
      %add3A_396 = arith.addi %get3A_394, %add3A_395 : vector<16xi32>
      %swap3A_397 = arith.constant 80 : index
      %swap3A_398 = tpu.vector_load %arg10[%swap3A_397] {strides = array<i32>} : memref<128xi32, #tpu.memory_space<vmem>>, vector<16xi32>,
      %swap3A_399 = vector.shape_cast %swap3A_398 : vector<16xi32> to vector<16xi32>
      %swap3A_400 = vector.shape_cast %add3A_396 : vector<16xi32> to vector<16xi32>
      tpu.vector_store %arg10[%swap3A_397], %swap3A_400 {strides = array<i32>} : memref<128xi32, #tpu.memory_space<vmem>>, vector<16xi32>,
      %get3A_401 = arith.constant 96 : index
      %get3A_402 = tpu.vector_load %arg10[%get3A_401] {strides = array<i32>} : memref<128xi32, #tpu.memory_space<vmem>>, vector<16xi32>,
      %get3A_403 = vector.shape_cast %get3A_402 : vector<16xi32> to vector<16xi32>
      %add3A_404 = vector.broadcast %mul3A_48 : i32 to vector<16xi32>
      %add3A_405 = arith.addi %get3A_403, %add3A_404 : vector<16xi32>
      %swap3A_406 = arith.constant 96 : index
      %swap3A_407 = tpu.vector_load %arg10[%swap3A_406] {strides = array<i32>} : memref<128xi32, #tpu.memory_space<vmem>>, vector<16xi32>,
      %swap3A_408 = vector.shape_cast %swap3A_407 : vector<16xi32> to vector<16xi32>
      %swap3A_409 = vector.shape_cast %add3A_405 : vector<16xi32> to vector<16xi32>
      tpu.vector_store %arg10[%swap3A_406], %swap3A_409 {strides = array<i32>} : memref<128xi32, #tpu.memory_space<vmem>>, vector<16xi32>,
      %get3A_410 = arith.constant 112 : index
      %get3A_411 = tpu.vector_load %arg10[%get3A_410] {strides = array<i32>} : memref<128xi32, #tpu.memory_space<vmem>>, vector<16xi32>,
      %get3A_412 = vector.shape_cast %get3A_411 : vector<16xi32> to vector<16xi32>
      %add3A_413 = vector.broadcast %mul3A_48 : i32 to vector<16xi32>
      %add3A_414 = arith.addi %get3A_412, %add3A_413 : vector<16xi32>
      %swap3A_415 = arith.constant 112 : index
      %swap3A_416 = tpu.vector_load %arg10[%swap3A_415] {strides = array<i32>} : memref<128xi32, #tpu.memory_space<vmem>>, vector<16xi32>,
      %swap3A_417 = vector.shape_cast %swap3A_416 : vector<16xi32> to vector<16xi32>
      %swap3A_418 = vector.shape_cast %add3A_414 : vector<16xi32> to vector<16xi32>
      tpu.vector_store %arg10[%swap3A_415], %swap3A_418 {strides = array<i32>} : memref<128xi32, #tpu.memory_space<vmem>>, vector<16xi32>,
      %dma_start3A_419 = arith.constant 0 : i32
      %dma_start3A_420 = arith.constant 0 : i32
      %dma_start3A_421 = tpu.memref_slice %arg18[%dma_start3A_419, %dma_start3A_420] : memref<2048x128xf32, #tpu.memory_space<vmem_shared>> -> memref<2048x128xf32, #tpu.memory_space<vmem_shared>>
      tpu.enqueue_indirect_dma source(%arg8 : memref<128x128xf32, #tpu.memory_space<vmem>>) target(%dma_start3A_421 : memref<2048x128xf32, #tpu.memory_space<vmem_shared>>) offsets(%arg10 : memref<128xi32, #tpu.memory_space<vmem>>) semaphore(%arg16 : memref<!tpu.dma_semaphore, #tpu.memory_space<semaphore_mem>>) {add = true}
      %add3A_422 = arith.constant 1 : i32
      %add3A_423 = arith.addi %add3A_326, %add3A_422 : i32
      %lt3A_424 = arith.constant 64 : i32
      %lt3A_425 = arith.cmpi slt, %add3A_423, %lt3A_424 : i32
      %convert_element_type3A = arith.extui %lt3A_425 : i1 to i32
      %cond3A = arith.constant 0 : i32
      %cond3A_426 = arith.cmpi ne, %convert_element_type3A, %cond3A : i32
      scf.if %cond3A_426 {
        %dma_wait3A_531 = arith.constant 0 : i32
        %dma_wait3A_532 = arith.constant 0 : i32
        %dma_wait3A_533 = tpu.memref_slice %arg18[%dma_wait3A_531, %dma_wait3A_532] : memref<2048x128xf32, #tpu.memory_space<vmem_shared>> -> memref<2048x128xf32, #tpu.memory_space<vmem_shared>>
        tpu.wait_indirect_dma semaphore(%arg17 : memref<!tpu.dma_semaphore, #tpu.memory_space<semaphore_mem>>) src(%arg9 : memref<128x128xf32, #tpu.memory_space<vmem>>) dst(%dma_wait3A_533 : memref<2048x128xf32, #tpu.memory_space<vmem_shared>>)
        %add3A_534 = arith.constant 1 : i32
        %add3A_535 = arith.addi %add3A_326, %add3A_534 : i32
        %mul3A_536 = arith.constant 128 : i32
        %mul3A_537 = arith.muli %add3A_535, %mul3A_536 : i32
        %add3A_538 = arith.addi %mul3A_69, %mul3A_537 : i32
        %multiple_of3A_539 = tpu.assume_multiple %add3A_538, 128 : i32
        %dma_start3A_540 = arith.constant 0 : i32
        %dma_start3A_541 = tpu.memref_slice %arg2[%add3A_9, %multiple_of3A_539, %dma_start3A_540] : memref<16x16384x32xf32, #tpu.memory_space<hbm>> -> memref<1x128x32xf32, #tpu.memory_space<hbm>>
        %dma_start3A_542 = tpu.memref_squeeze %dma_start3A_541 : memref<1x128x32xf32, #tpu.memory_space<hbm>> -> memref<128x32xf32, #tpu.memory_space<hbm>>
        %dma_start3A_543 = arith.constant 0 : i32
        %dma_start3A_544 = tpu.memref_slice %arg2[%add3A_9, %multiple_of3A_539, %dma_start3A_543] : memref<16x16384x32xf32, #tpu.memory_space<hbm>> -> memref<1x128x32xf32, #tpu.memory_space<hbm>>
        %dma_start3A_545 = tpu.memref_squeeze %dma_start3A_544 : memref<1x128x32xf32, #tpu.memory_space<hbm>> -> memref<128x32xf32, #tpu.memory_space<hbm>>
        tpu.enqueue_dma source(%dma_start3A_545 : memref<128x32xf32, #tpu.memory_space<hbm>>) target(%arg7 : memref<128x32xf32, #tpu.memory_space<vmem>>) target_semaphore(%arg13 : memref<!tpu.dma_semaphore, #tpu.memory_space<semaphore_mem>>)
        %dma_start3A_546 = tpu.memref_slice %arg3[%add3A_9, %multiple_of3A_539] : memref<16x16384xi32, #tpu.memory_space<hbm>> -> memref<1x128xi32, #tpu.memory_space<hbm>>
        %dma_start3A_547 = tpu.memref_squeeze %dma_start3A_546 : memref<1x128xi32, #tpu.memory_space<hbm>> -> memref<128xi32, #tpu.memory_space<hbm>>
        %dma_start3A_548 = tpu.memref_slice %arg3[%add3A_9, %multiple_of3A_539] : memref<16x16384xi32, #tpu.memory_space<hbm>> -> memref<1x128xi32, #tpu.memory_space<hbm>>
        %dma_start3A_549 = tpu.memref_squeeze %dma_start3A_548 : memref<1x128xi32, #tpu.memory_space<hbm>> -> memref<128xi32, #tpu.memory_space<hbm>>
        tpu.enqueue_dma source(%dma_start3A_549 : memref<128xi32, #tpu.memory_space<hbm>>) target(%arg11 : memref<128xi32, #tpu.memory_space<vmem>>) target_semaphore(%arg15 : memref<!tpu.dma_semaphore, #tpu.memory_space<semaphore_mem>>)
      } else {
      }
      %add3A_427 = arith.constant 1 : i32
      %add3A_428 = arith.addi %add3A_326, %add3A_427 : i32
      %mul3A_429 = arith.constant 128 : i32
      %mul3A_430 = arith.muli %add3A_428, %mul3A_429 : i32
      %add3A_431 = arith.addi %mul3A_69, %mul3A_430 : i32
      %multiple_of3A_432 = tpu.assume_multiple %add3A_431, 128 : i32
      %dma_wait3A_433 = arith.constant 0 : i32
      %dma_wait3A_434 = tpu.memref_slice %arg2[%add3A_9, %multiple_of3A_432, %dma_wait3A_433] : memref<16x16384x32xf32, #tpu.memory_space<hbm>> -> memref<1x128x32xf32, #tpu.memory_space<hbm>>
      %dma_wait3A_435 = tpu.memref_squeeze %dma_wait3A_434 : memref<1x128x32xf32, #tpu.memory_space<hbm>> -> memref<128x32xf32, #tpu.memory_space<hbm>>
      %dma_wait3A_436 = arith.constant 0 : i32
      %dma_wait3A_437 = tpu.memref_slice %arg2[%add3A_9, %multiple_of3A_432, %dma_wait3A_436] : memref<16x16384x32xf32, #tpu.memory_space<hbm>> -> memref<1x128x32xf32, #tpu.memory_space<hbm>>
      %dma_wait3A_438 = tpu.memref_squeeze %dma_wait3A_437 : memref<1x128x32xf32, #tpu.memory_space<hbm>> -> memref<128x32xf32, #tpu.memory_space<hbm>>
      tpu.wait_dma2 semaphore(%arg13 : memref<!tpu.dma_semaphore, #tpu.memory_space<semaphore_mem>>) src(%dma_wait3A_438 : memref<128x32xf32, #tpu.memory_space<hbm>>) dst(%arg7 : memref<128x32xf32, #tpu.memory_space<vmem>>)
      %dma_wait3A_439 = tpu.memref_slice %arg3[%add3A_9, %multiple_of3A_432] : memref<16x16384xi32, #tpu.memory_space<hbm>> -> memref<1x128xi32, #tpu.memory_space<hbm>>
      %dma_wait3A_440 = tpu.memref_squeeze %dma_wait3A_439 : memref<1x128xi32, #tpu.memory_space<hbm>> -> memref<128xi32, #tpu.memory_space<hbm>>
      %dma_wait3A_441 = tpu.memref_slice %arg3[%add3A_9, %multiple_of3A_432] : memref<16x16384xi32, #tpu.memory_space<hbm>> -> memref<1x128xi32, #tpu.memory_space<hbm>>
      %dma_wait3A_442 = tpu.memref_squeeze %dma_wait3A_441 : memref<1x128xi32, #tpu.memory_space<hbm>> -> memref<128xi32, #tpu.memory_space<hbm>>
      tpu.wait_dma2 semaphore(%arg15 : memref<!tpu.dma_semaphore, #tpu.memory_space<semaphore_mem>>) src(%dma_wait3A_442 : memref<128xi32, #tpu.memory_space<hbm>>) dst(%arg11 : memref<128xi32, #tpu.memory_space<vmem>>)
      %scan3A_443 = arith.constant 0 : i32
      %scan3A_444 = arith.constant 0 : i32
      %scan3A_445 = arith.constant 128 : i32
      %scan3A_446 = arith.addi %scan3A_444, %scan3A_445 : i32
      %scan3A_447 = arith.constant 1 : i32
      scf.for %scan3A_531 = %scan3A_444 to %scan3A_446 step %scan3A_447  : i32 {
        %get3A_532 = arith.index_cast %scan3A_531 : i32 to index
        %get3A_533 = arith.constant 0 : index
        %get3A_534 = tpu.vector_load %arg7[%get3A_532, %get3A_533] {strides = array<i32>} : memref<128x32xf32, #tpu.memory_space<vmem>>, vector<1x16xf32>,
        %get3A_535 = vector.shape_cast %get3A_534 : vector<1x16xf32> to vector<16xf32>
        %swap3A_536 = arith.index_cast %scan3A_531 : i32 to index
        %swap3A_537 = arith.constant 0 : index
        %swap3A_538 = tpu.vector_load %arg9[%swap3A_536, %swap3A_537] {strides = array<i32>} : memref<128x128xf32, #tpu.memory_space<vmem>>, vector<1x16xf32>,
        %swap3A_539 = vector.shape_cast %swap3A_538 : vector<1x16xf32> to vector<16xf32>
        %swap3A_540 = vector.shape_cast %get3A_535 : vector<16xf32> to vector<1x16xf32>
        tpu.vector_store %arg9[%swap3A_536, %swap3A_537], %swap3A_540 {strides = array<i32>} : memref<128x128xf32, #tpu.memory_space<vmem>>, vector<1x16xf32>,
        %get3A_541 = arith.index_cast %scan3A_531 : i32 to index
        %get3A_542 = arith.constant 16 : index
        %get3A_543 = tpu.vector_load %arg7[%get3A_541, %get3A_542] {strides = array<i32>} : memref<128x32xf32, #tpu.memory_space<vmem>>, vector<1x16xf32>,
        %get3A_544 = vector.shape_cast %get3A_543 : vector<1x16xf32> to vector<16xf32>
        %swap3A_545 = arith.index_cast %scan3A_531 : i32 to index
        %swap3A_546 = arith.constant 16 : index
        %swap3A_547 = tpu.vector_load %arg9[%swap3A_545, %swap3A_546] {strides = array<i32>} : memref<128x128xf32, #tpu.memory_space<vmem>>, vector<1x16xf32>,
        %swap3A_548 = vector.shape_cast %swap3A_547 : vector<1x16xf32> to vector<16xf32>
        %swap3A_549 = vector.shape_cast %get3A_544 : vector<16xf32> to vector<1x16xf32>
        tpu.vector_store %arg9[%swap3A_545, %swap3A_546], %swap3A_549 {strides = array<i32>} : memref<128x128xf32, #tpu.memory_space<vmem>>, vector<1x16xf32>,
      }
      %scan3A_448 = arith.constant 128 : i32
      %get3A_449 = arith.constant 0 : index
      %get3A_450 = tpu.vector_load %arg11[%get3A_449] {strides = array<i32>} : memref<128xi32, #tpu.memory_space<vmem>>, vector<16xi32>,
      %get3A_451 = vector.shape_cast %get3A_450 : vector<16xi32> to vector<16xi32>
      %add3A_452 = vector.broadcast %mul3A_48 : i32 to vector<16xi32>
      %add3A_453 = arith.addi %get3A_451, %add3A_452 : vector<16xi32>
      %swap3A_454 = arith.constant 0 : index
      %swap3A_455 = tpu.vector_load %arg11[%swap3A_454] {strides = array<i32>} : memref<128xi32, #tpu.memory_space<vmem>>, vector<16xi32>,
      %swap3A_456 = vector.shape_cast %swap3A_455 : vector<16xi32> to vector<16xi32>
      %swap3A_457 = vector.shape_cast %add3A_453 : vector<16xi32> to vector<16xi32>
      tpu.vector_store %arg11[%swap3A_454], %swap3A_457 {strides = array<i32>} : memref<128xi32, #tpu.memory_space<vmem>>, vector<16xi32>,
      %get3A_458 = arith.constant 16 : index
      %get3A_459 = tpu.vector_load %arg11[%get3A_458] {strides = array<i32>} : memref<128xi32, #tpu.memory_space<vmem>>, vector<16xi32>,
      %get3A_460 = vector.shape_cast %get3A_459 : vector<16xi32> to vector<16xi32>
      %add3A_461 = vector.broadcast %mul3A_48 : i32 to vector<16xi32>
      %add3A_462 = arith.addi %get3A_460, %add3A_461 : vector<16xi32>
      %swap3A_463 = arith.constant 16 : index
      %swap3A_464 = tpu.vector_load %arg11[%swap3A_463] {strides = array<i32>} : memref<128xi32, #tpu.memory_space<vmem>>, vector<16xi32>,
      %swap3A_465 = vector.shape_cast %swap3A_464 : vector<16xi32> to vector<16xi32>
      %swap3A_466 = vector.shape_cast %add3A_462 : vector<16xi32> to vector<16xi32>
      tpu.vector_store %arg11[%swap3A_463], %swap3A_466 {strides = array<i32>} : memref<128xi32, #tpu.memory_space<vmem>>, vector<16xi32>,
      %get3A_467 = arith.constant 32 : index
      %get3A_468 = tpu.vector_load %arg11[%get3A_467] {strides = array<i32>} : memref<128xi32, #tpu.memory_space<vmem>>, vector<16xi32>,
      %get3A_469 = vector.shape_cast %get3A_468 : vector<16xi32> to vector<16xi32>
      %add3A_470 = vector.broadcast %mul3A_48 : i32 to vector<16xi32>
      %add3A_471 = arith.addi %get3A_469, %add3A_470 : vector<16xi32>
      %swap3A_472 = arith.constant 32 : index
      %swap3A_473 = tpu.vector_load %arg11[%swap3A_472] {strides = array<i32>} : memref<128xi32, #tpu.memory_space<vmem>>, vector<16xi32>,
      %swap3A_474 = vector.shape_cast %swap3A_473 : vector<16xi32> to vector<16xi32>
      %swap3A_475 = vector.shape_cast %add3A_471 : vector<16xi32> to vector<16xi32>
      tpu.vector_store %arg11[%swap3A_472], %swap3A_475 {strides = array<i32>} : memref<128xi32, #tpu.memory_space<vmem>>, vector<16xi32>,
      %get3A_476 = arith.constant 48 : index
      %get3A_477 = tpu.vector_load %arg11[%get3A_476] {strides = array<i32>} : memref<128xi32, #tpu.memory_space<vmem>>, vector<16xi32>,
      %get3A_478 = vector.shape_cast %get3A_477 : vector<16xi32> to vector<16xi32>
      %add3A_479 = vector.broadcast %mul3A_48 : i32 to vector<16xi32>
      %add3A_480 = arith.addi %get3A_478, %add3A_479 : vector<16xi32>
      %swap3A_481 = arith.constant 48 : index
      %swap3A_482 = tpu.vector_load %arg11[%swap3A_481] {strides = array<i32>} : memref<128xi32, #tpu.memory_space<vmem>>, vector<16xi32>,
      %swap3A_483 = vector.shape_cast %swap3A_482 : vector<16xi32> to vector<16xi32>
      %swap3A_484 = vector.shape_cast %add3A_480 : vector<16xi32> to vector<16xi32>
      tpu.vector_store %arg11[%swap3A_481], %swap3A_484 {strides = array<i32>} : memref<128xi32, #tpu.memory_space<vmem>>, vector<16xi32>,
      %get3A_485 = arith.constant 64 : index
      %get3A_486 = tpu.vector_load %arg11[%get3A_485] {strides = array<i32>} : memref<128xi32, #tpu.memory_space<vmem>>, vector<16xi32>,
      %get3A_487 = vector.shape_cast %get3A_486 : vector<16xi32> to vector<16xi32>
      %add3A_488 = vector.broadcast %mul3A_48 : i32 to vector<16xi32>
      %add3A_489 = arith.addi %get3A_487, %add3A_488 : vector<16xi32>
      %swap3A_490 = arith.constant 64 : index
      %swap3A_491 = tpu.vector_load %arg11[%swap3A_490] {strides = array<i32>} : memref<128xi32, #tpu.memory_space<vmem>>, vector<16xi32>,
      %swap3A_492 = vector.shape_cast %swap3A_491 : vector<16xi32> to vector<16xi32>
      %swap3A_493 = vector.shape_cast %add3A_489 : vector<16xi32> to vector<16xi32>
      tpu.vector_store %arg11[%swap3A_490], %swap3A_493 {strides = array<i32>} : memref<128xi32, #tpu.memory_space<vmem>>, vector<16xi32>,
      %get3A_494 = arith.constant 80 : index
      %get3A_495 = tpu.vector_load %arg11[%get3A_494] {strides = array<i32>} : memref<128xi32, #tpu.memory_space<vmem>>, vector<16xi32>,
      %get3A_496 = vector.shape_cast %get3A_495 : vector<16xi32> to vector<16xi32>
      %add3A_497 = vector.broadcast %mul3A_48 : i32 to vector<16xi32>
      %add3A_498 = arith.addi %get3A_496, %add3A_497 : vector<16xi32>
      %swap3A_499 = arith.constant 80 : index
      %swap3A_500 = tpu.vector_load %arg11[%swap3A_499] {strides = array<i32>} : memref<128xi32, #tpu.memory_space<vmem>>, vector<16xi32>,
      %swap3A_501 = vector.shape_cast %swap3A_500 : vector<16xi32> to vector<16xi32>
      %swap3A_502 = vector.shape_cast %add3A_498 : vector<16xi32> to vector<16xi32>
      tpu.vector_store %arg11[%swap3A_499], %swap3A_502 {strides = array<i32>} : memref<128xi32, #tpu.memory_space<vmem>>, vector<16xi32>,
      %get3A_503 = arith.constant 96 : index
      %get3A_504 = tpu.vector_load %arg11[%get3A_503] {strides = array<i32>} : memref<128xi32, #tpu.memory_space<vmem>>, vector<16xi32>,
      %get3A_505 = vector.shape_cast %get3A_504 : vector<16xi32> to vector<16xi32>
      %add3A_506 = vector.broadcast %mul3A_48 : i32 to vector<16xi32>
      %add3A_507 = arith.addi %get3A_505, %add3A_506 : vector<16xi32>
      %swap3A_508 = arith.constant 96 : index
      %swap3A_509 = tpu.vector_load %arg11[%swap3A_508] {strides = array<i32>} : memref<128xi32, #tpu.memory_space<vmem>>, vector<16xi32>,
      %swap3A_510 = vector.shape_cast %swap3A_509 : vector<16xi32> to vector<16xi32>
      %swap3A_511 = vector.shape_cast %add3A_507 : vector<16xi32> to vector<16xi32>
      tpu.vector_store %arg11[%swap3A_508], %swap3A_511 {strides = array<i32>} : memref<128xi32, #tpu.memory_space<vmem>>, vector<16xi32>,
      %get3A_512 = arith.constant 112 : index
      %get3A_513 = tpu.vector_load %arg11[%get3A_512] {strides = array<i32>} : memref<128xi32, #tpu.memory_space<vmem>>, vector<16xi32>,
      %get3A_514 = vector.shape_cast %get3A_513 : vector<16xi32> to vector<16xi32>
      %add3A_515 = vector.broadcast %mul3A_48 : i32 to vector<16xi32>
      %add3A_516 = arith.addi %get3A_514, %add3A_515 : vector<16xi32>
      %swap3A_517 = arith.constant 112 : index
      %swap3A_518 = tpu.vector_load %arg11[%swap3A_517] {strides = array<i32>} : memref<128xi32, #tpu.memory_space<vmem>>, vector<16xi32>,
      %swap3A_519 = vector.shape_cast %swap3A_518 : vector<16xi32> to vector<16xi32>
      %swap3A_520 = vector.shape_cast %add3A_516 : vector<16xi32> to vector<16xi32>
      tpu.vector_store %arg11[%swap3A_517], %swap3A_520 {strides = array<i32>} : memref<128xi32, #tpu.memory_space<vmem>>, vector<16xi32>,
      %dma_start3A_521 = arith.constant 0 : i32
      %dma_start3A_522 = arith.constant 0 : i32
      %dma_start3A_523 = tpu.memref_slice %arg18[%dma_start3A_521, %dma_start3A_522] : memref<2048x128xf32, #tpu.memory_space<vmem_shared>> -> memref<2048x128xf32, #tpu.memory_space<vmem_shared>>
      tpu.enqueue_indirect_dma source(%arg9 : memref<128x128xf32, #tpu.memory_space<vmem>>) target(%dma_start3A_523 : memref<2048x128xf32, #tpu.memory_space<vmem_shared>>) offsets(%arg11 : memref<128xi32, #tpu.memory_space<vmem>>) semaphore(%arg17 : memref<!tpu.dma_semaphore, #tpu.memory_space<semaphore_mem>>) {add = true}
      %add3A_524 = arith.constant 1 : i32
      %add3A_525 = arith.addi %add3A_428, %add3A_524 : i32
      %lt3A_526 = arith.constant 64 : i32
      %lt3A_527 = arith.cmpi slt, %add3A_525, %lt3A_526 : i32
      %convert_element_type3A_528 = arith.extui %lt3A_527 : i1 to i32
      %cond3A_529 = arith.constant 0 : i32
      %cond3A_530 = arith.cmpi ne, %convert_element_type3A_528, %cond3A_529 : i32
      scf.if %cond3A_530 {
        %dma_wait3A_531 = arith.constant 0 : i32
        %dma_wait3A_532 = arith.constant 0 : i32
        %dma_wait3A_533 = tpu.memref_slice %arg18[%dma_wait3A_531, %dma_wait3A_532] : memref<2048x128xf32, #tpu.memory_space<vmem_shared>> -> memref<2048x128xf32, #tpu.memory_space<vmem_shared>>
        tpu.wait_indirect_dma semaphore(%arg16 : memref<!tpu.dma_semaphore, #tpu.memory_space<semaphore_mem>>) src(%arg8 : memref<128x128xf32, #tpu.memory_space<vmem>>) dst(%dma_wait3A_533 : memref<2048x128xf32, #tpu.memory_space<vmem_shared>>)
        %add3A_534 = arith.constant 1 : i32
        %add3A_535 = arith.addi %add3A_428, %add3A_534 : i32
        %mul3A_536 = arith.constant 128 : i32
        %mul3A_537 = arith.muli %add3A_535, %mul3A_536 : i32
        %add3A_538 = arith.addi %mul3A_69, %mul3A_537 : i32
        %multiple_of3A_539 = tpu.assume_multiple %add3A_538, 128 : i32
        %dma_start3A_540 = arith.constant 0 : i32
        %dma_start3A_541 = tpu.memref_slice %arg2[%add3A_9, %multiple_of3A_539, %dma_start3A_540] : memref<16x16384x32xf32, #tpu.memory_space<hbm>> -> memref<1x128x32xf32, #tpu.memory_space<hbm>>
        %dma_start3A_542 = tpu.memref_squeeze %dma_start3A_541 : memref<1x128x32xf32, #tpu.memory_space<hbm>> -> memref<128x32xf32, #tpu.memory_space<hbm>>
        %dma_start3A_543 = arith.constant 0 : i32
        %dma_start3A_544 = tpu.memref_slice %arg2[%add3A_9, %multiple_of3A_539, %dma_start3A_543] : memref<16x16384x32xf32, #tpu.memory_space<hbm>> -> memref<1x128x32xf32, #tpu.memory_space<hbm>>
        %dma_start3A_545 = tpu.memref_squeeze %dma_start3A_544 : memref<1x128x32xf32, #tpu.memory_space<hbm>> -> memref<128x32xf32, #tpu.memory_space<hbm>>
        tpu.enqueue_dma source(%dma_start3A_545 : memref<128x32xf32, #tpu.memory_space<hbm>>) target(%arg6 : memref<128x32xf32, #tpu.memory_space<vmem>>) target_semaphore(%arg12 : memref<!tpu.dma_semaphore, #tpu.memory_space<semaphore_mem>>)
        %dma_start3A_546 = tpu.memref_slice %arg3[%add3A_9, %multiple_of3A_539] : memref<16x16384xi32, #tpu.memory_space<hbm>> -> memref<1x128xi32, #tpu.memory_space<hbm>>
        %dma_start3A_547 = tpu.memref_squeeze %dma_start3A_546 : memref<1x128xi32, #tpu.memory_space<hbm>> -> memref<128xi32, #tpu.memory_space<hbm>>
        %dma_start3A_548 = tpu.memref_slice %arg3[%add3A_9, %multiple_of3A_539] : memref<16x16384xi32, #tpu.memory_space<hbm>> -> memref<1x128xi32, #tpu.memory_space<hbm>>
        %dma_start3A_549 = tpu.memref_squeeze %dma_start3A_548 : memref<1x128xi32, #tpu.memory_space<hbm>> -> memref<128xi32, #tpu.memory_space<hbm>>
        tpu.enqueue_dma source(%dma_start3A_549 : memref<128xi32, #tpu.memory_space<hbm>>) target(%arg10 : memref<128xi32, #tpu.memory_space<vmem>>) target_semaphore(%arg14 : memref<!tpu.dma_semaphore, #tpu.memory_space<semaphore_mem>>)
      } else {
      }
    }
    %scan3A_300 = arith.constant 31 : i32
    %dma_wait3A_301 = arith.constant 0 : i32
    %dma_wait3A_302 = arith.constant 0 : i32
    %dma_wait3A_303 = tpu.memref_slice %arg18[%dma_wait3A_301, %dma_wait3A_302] : memref<2048x128xf32, #tpu.memory_space<vmem_shared>> -> memref<2048x128xf32, #tpu.memory_space<vmem_shared>>
    tpu.wait_indirect_dma semaphore(%arg16 : memref<!tpu.dma_semaphore, #tpu.memory_space<semaphore_mem>>) src(%arg8 : memref<128x128xf32, #tpu.memory_space<vmem>>) dst(%dma_wait3A_303 : memref<2048x128xf32, #tpu.memory_space<vmem_shared>>)
    %dma_wait3A_304 = arith.constant 0 : i32
    %dma_wait3A_305 = arith.constant 0 : i32
    %dma_wait3A_306 = tpu.memref_slice %arg18[%dma_wait3A_304, %dma_wait3A_305] : memref<2048x128xf32, #tpu.memory_space<vmem_shared>> -> memref<2048x128xf32, #tpu.memory_space<vmem_shared>>
    tpu.wait_indirect_dma semaphore(%arg17 : memref<!tpu.dma_semaphore, #tpu.memory_space<semaphore_mem>>) src(%arg9 : memref<128x128xf32, #tpu.memory_space<vmem>>) dst(%dma_wait3A_306 : memref<2048x128xf32, #tpu.memory_space<vmem_shared>>)
    %barrier3A_307 = arith.constant 0 : index
    tpu.barrier barrier_id(%barrier3A_307)
    %mul3A_308 = arith.constant 2048 : i32
    %mul3A_309 = arith.muli %arg0, %mul3A_308 : i32
    %mul3A_310 = arith.constant 128 : i32
    %mul3A_311 = arith.muli %arg1, %mul3A_310 : i32
    %add3A_312 = arith.addi %mul3A_309, %mul3A_311 : i32
    %multiple_of3A_313 = tpu.assume_multiple %add3A_312, 128 : i32
    %mul3A_314 = arith.constant 128 : i32
    %mul3A_315 = arith.muli %arg1, %mul3A_314 : i32
    "tpu.region"() ({
      %run_scoped3A = tpu.sem_alloc : memref<!tpu.dma_semaphore, #tpu.memory_space<semaphore_mem>>
      %dma_start3A_322 = arith.constant 0 : i32
      %dma_start3A_323 = tpu.memref_slice %arg18[%mul3A_315, %dma_start3A_322] : memref<2048x128xf32, #tpu.memory_space<vmem_shared>> -> memref<128x128xf32, #tpu.memory_space<vmem_shared>>
      %dma_start3A_324 = arith.constant 0 : i32
      %dma_start3A_325 = tpu.memref_slice %arg18[%mul3A_315, %dma_start3A_324] : memref<2048x128xf32, #tpu.memory_space<vmem_shared>> -> memref<128x128xf32, #tpu.memory_space<vmem_shared>>
      tpu.enqueue_dma source(%dma_start3A_325 : memref<128x128xf32, #tpu.memory_space<vmem_shared>>) target(%arg8 : memref<128x128xf32, #tpu.memory_space<vmem>>) target_semaphore(%run_scoped3A : memref<!tpu.dma_semaphore, #tpu.memory_space<semaphore_mem>>)
      %dma_wait3A_326 = arith.constant 0 : i32
      %dma_wait3A_327 = tpu.memref_slice %arg18[%mul3A_315, %dma_wait3A_326] : memref<2048x128xf32, #tpu.memory_space<vmem_shared>> -> memref<128x128xf32, #tpu.memory_space<vmem_shared>>
      %dma_wait3A_328 = arith.constant 0 : i32
      %dma_wait3A_329 = tpu.memref_slice %arg18[%mul3A_315, %dma_wait3A_328] : memref<2048x128xf32, #tpu.memory_space<vmem_shared>> -> memref<128x128xf32, #tpu.memory_space<vmem_shared>>
      tpu.wait_dma2 semaphore(%run_scoped3A : memref<!tpu.dma_semaphore, #tpu.memory_space<semaphore_mem>>) src(%dma_wait3A_329 : memref<128x128xf32, #tpu.memory_space<vmem_shared>>) dst(%arg8 : memref<128x128xf32, #tpu.memory_space<vmem>>)
      tpu.yield
    }) : () -> ()
    "tpu.region"() ({
      %run_scoped3A = tpu.sem_alloc : memref<!tpu.dma_semaphore, #tpu.memory_space<semaphore_mem>>
      %dma_start3A_322 = arith.constant 0 : i32
      %dma_start3A_323 = tpu.memref_slice %arg4[%multiple_of3A_313, %dma_start3A_322] : memref<4096x32xf32, #tpu.memory_space<hbm>> -> memref<128x32xf32, #tpu.memory_space<hbm>>
      %dma_start3A_324 = arith.constant 0 : i32
      %dma_start3A_325 = tpu.memref_slice %arg4[%multiple_of3A_313, %dma_start3A_324] : memref<4096x32xf32, #tpu.memory_space<hbm>> -> memref<128x32xf32, #tpu.memory_space<hbm>>
      tpu.enqueue_dma source(%dma_start3A_325 : memref<128x32xf32, #tpu.memory_space<hbm>>) target(%arg6 : memref<128x32xf32, #tpu.memory_space<vmem>>) target_semaphore(%run_scoped3A : memref<!tpu.dma_semaphore, #tpu.memory_space<semaphore_mem>>)
      %dma_wait3A_326 = arith.constant 0 : i32
      %dma_wait3A_327 = tpu.memref_slice %arg4[%multiple_of3A_313, %dma_wait3A_326] : memref<4096x32xf32, #tpu.memory_space<hbm>> -> memref<128x32xf32, #tpu.memory_space<hbm>>
      %dma_wait3A_328 = arith.constant 0 : i32
      %dma_wait3A_329 = tpu.memref_slice %arg4[%multiple_of3A_313, %dma_wait3A_328] : memref<4096x32xf32, #tpu.memory_space<hbm>> -> memref<128x32xf32, #tpu.memory_space<hbm>>
      tpu.wait_dma2 semaphore(%run_scoped3A : memref<!tpu.dma_semaphore, #tpu.memory_space<semaphore_mem>>) src(%dma_wait3A_329 : memref<128x32xf32, #tpu.memory_space<hbm>>) dst(%arg6 : memref<128x32xf32, #tpu.memory_space<vmem>>)
      tpu.yield
    }) : () -> ()
    %scan3A_316 = arith.constant 0 : i32
    %scan3A_317 = arith.constant 0 : i32
    %scan3A_318 = arith.constant 128 : i32
    %scan3A_319 = arith.addi %scan3A_317, %scan3A_318 : i32
    %scan3A_320 = arith.constant 1 : i32
    scf.for %scan3A_322 = %scan3A_317 to %scan3A_319 step %scan3A_320  : i32 {
      %get3A_323 = arith.index_cast %scan3A_322 : i32 to index
      %get3A_324 = arith.constant 32 : index
      %get3A_325 = tpu.vector_load %arg8[%get3A_323, %get3A_324] {strides = array<i32>} : memref<128x128xf32, #tpu.memory_space<vmem>>, vector<1x16xf32>,
      %get3A_326 = vector.shape_cast %get3A_325 : vector<1x16xf32> to vector<16xf32>
      %max3A = arith.maximumf %get3A_326, %add3A_54 : vector<16xf32>
      %min3A = arith.minimumf %get3A_326, %add3A_54 : vector<16xf32>
      %sub3A_327 = arith.subf %add3A_54, %min3A : vector<16xf32>
      %get3A_328 = arith.index_cast %scan3A_322 : i32 to index
      %get3A_329 = arith.constant 0 : index
      %get3A_330 = tpu.vector_load %arg8[%get3A_328, %get3A_329] {strides = array<i32>} : memref<128x128xf32, #tpu.memory_space<vmem>>, vector<1x16xf32>,
      %get3A_331 = vector.shape_cast %get3A_330 : vector<1x16xf32> to vector<16xf32>
      %div3A_332 = arith.divf %get3A_331, %max3A : vector<16xf32>
      %get3A_333 = arith.index_cast %scan3A_322 : i32 to index
      %get3A_334 = arith.constant 16 : index
      %get3A_335 = tpu.vector_load %arg8[%get3A_333, %get3A_334] {strides = array<i32>} : memref<128x128xf32, #tpu.memory_space<vmem>>, vector<1x16xf32>,
      %get3A_336 = vector.shape_cast %get3A_335 : vector<1x16xf32> to vector<16xf32>
      %div3A_337 = arith.divf %get3A_336, %max3A : vector<16xf32>
      %mul3A_338 = arith.mulf %div3A_332, %min3A : vector<16xf32>
      %get3A_339 = arith.index_cast %scan3A_322 : i32 to index
      %get3A_340 = arith.constant 0 : index
      %get3A_341 = tpu.vector_load %arg6[%get3A_339, %get3A_340] {strides = array<i32>} : memref<128x32xf32, #tpu.memory_space<vmem>>, vector<1x16xf32>,
      %get3A_342 = vector.shape_cast %get3A_341 : vector<1x16xf32> to vector<16xf32>
      %mul3A_343 = arith.mulf %get3A_342, %sub3A_327 : vector<16xf32>
      %add3A_344 = arith.addf %mul3A_338, %mul3A_343 : vector<16xf32>
      %swap3A_345 = arith.index_cast %scan3A_322 : i32 to index
      %swap3A_346 = arith.constant 0 : index
      %swap3A_347 = tpu.vector_load %arg6[%swap3A_345, %swap3A_346] {strides = array<i32>} : memref<128x32xf32, #tpu.memory_space<vmem>>, vector<1x16xf32>,
      %swap3A_348 = vector.shape_cast %swap3A_347 : vector<1x16xf32> to vector<16xf32>
      %swap3A_349 = vector.shape_cast %add3A_344 : vector<16xf32> to vector<1x16xf32>
      tpu.vector_store %arg6[%swap3A_345, %swap3A_346], %swap3A_349 {strides = array<i32>} : memref<128x32xf32, #tpu.memory_space<vmem>>, vector<1x16xf32>,
      %mul3A_350 = arith.mulf %div3A_337, %min3A : vector<16xf32>
      %get3A_351 = arith.index_cast %scan3A_322 : i32 to index
      %get3A_352 = arith.constant 16 : index
      %get3A_353 = tpu.vector_load %arg6[%get3A_351, %get3A_352] {strides = array<i32>} : memref<128x32xf32, #tpu.memory_space<vmem>>, vector<1x16xf32>,
      %get3A_354 = vector.shape_cast %get3A_353 : vector<1x16xf32> to vector<16xf32>
      %mul3A_355 = arith.mulf %get3A_354, %sub3A_327 : vector<16xf32>
      %add3A_356 = arith.addf %mul3A_350, %mul3A_355 : vector<16xf32>
      %swap3A_357 = arith.index_cast %scan3A_322 : i32 to index
      %swap3A_358 = arith.constant 16 : index
      %swap3A_359 = tpu.vector_load %arg6[%swap3A_357, %swap3A_358] {strides = array<i32>} : memref<128x32xf32, #tpu.memory_space<vmem>>, vector<1x16xf32>,
      %swap3A_360 = vector.shape_cast %swap3A_359 : vector<1x16xf32> to vector<16xf32>
      %swap3A_361 = vector.shape_cast %add3A_356 : vector<16xf32> to vector<1x16xf32>
      tpu.vector_store %arg6[%swap3A_357, %swap3A_358], %swap3A_361 {strides = array<i32>} : memref<128x32xf32, #tpu.memory_space<vmem>>, vector<1x16xf32>,
    }
    %scan3A_321 = arith.constant 128 : i32
    "tpu.region"() ({
      %run_scoped3A = tpu.sem_alloc : memref<!tpu.dma_semaphore, #tpu.memory_space<semaphore_mem>>
      %dma_start3A_322 = arith.constant 0 : i32
      %dma_start3A_323 = tpu.memref_slice %arg5[%multiple_of3A_313, %dma_start3A_322] : memref<4096x32xf32, #tpu.memory_space<hbm>> -> memref<128x32xf32, #tpu.memory_space<hbm>>
      %dma_start3A_324 = arith.constant 0 : i32
      %dma_start3A_325 = tpu.memref_slice %arg5[%multiple_of3A_313, %dma_start3A_324] : memref<4096x32xf32, #tpu.memory_space<hbm>> -> memref<128x32xf32, #tpu.memory_space<hbm>>
      tpu.enqueue_dma source(%arg6 : memref<128x32xf32, #tpu.memory_space<vmem>>) target(%dma_start3A_325 : memref<128x32xf32, #tpu.memory_space<hbm>>) target_semaphore(%run_scoped3A : memref<!tpu.dma_semaphore, #tpu.memory_space<semaphore_mem>>)
      %dma_wait3A_326 = arith.constant 0 : i32
      %dma_wait3A_327 = tpu.memref_slice %arg5[%multiple_of3A_313, %dma_wait3A_326] : memref<4096x32xf32, #tpu.memory_space<hbm>> -> memref<128x32xf32, #tpu.memory_space<hbm>>
      %dma_wait3A_328 = arith.constant 0 : i32
      %dma_wait3A_329 = tpu.memref_slice %arg5[%multiple_of3A_313, %dma_wait3A_328] : memref<4096x32xf32, #tpu.memory_space<hbm>> -> memref<128x32xf32, #tpu.memory_space<hbm>>
      tpu.wait_dma2 semaphore(%run_scoped3A : memref<!tpu.dma_semaphore, #tpu.memory_space<semaphore_mem>>) src(%arg6 : memref<128x32xf32, #tpu.memory_space<vmem>>) dst(%dma_wait3A_329 : memref<128x32xf32, #tpu.memory_space<hbm>>)
      tpu.yield
    }) : () -> ()
    return
  }
}

module attributes {stable_mosaic.version = 14 : i64} {
  func.func @_assign_body(%arg0: i32, %arg1: i32, %arg2: memref<1x8192x32xf32, #tpu.memory_space<vmem>>, %arg3: memref<1x256x32xf32, #tpu.memory_space<vmem>>, %arg4: memref<1x1x8192xi32, #tpu.memory_space<vmem>>) attributes {dimension_semantics = [#tpu.dimension_semantics<arbitrary>, #tpu.dimension_semantics<arbitrary>], iteration_bounds = array<i64: 16, 2>, scalar_prefetch = 0 : i64, scratch_operands = 0 : i64, tpu.core_type = #tpu.core_type<tc>, window_params = [{transform_indices = @transform_0, window_bounds = array<i64: 1, 8192, 32>}, {transform_indices = @transform_1, window_bounds = array<i64: 1, 256, 32>}, {transform_indices = @transform_2, window_bounds = array<i64: 1, 1, 8192>}]} {
    %get3A = arith.constant 0 : index
    %get3A_0 = arith.constant 0 : index
    %get3A_1 = arith.constant 0 : index
    %get3A_2 = vector.load %arg2[%get3A, %get3A_0, %get3A_1] : memref<1x8192x32xf32, #tpu.memory_space<vmem>>, vector<1x8192x32xf32>
    %get3A_3 = vector.shape_cast %get3A_2 : vector<1x8192x32xf32> to vector<8192x32xf32>
    %get3A_4 = arith.constant 0 : index
    %get3A_5 = arith.constant 0 : index
    %get3A_6 = arith.constant 0 : index
    %get3A_7 = vector.load %arg3[%get3A_4, %get3A_5, %get3A_6] : memref<1x256x32xf32, #tpu.memory_space<vmem>>, vector<1x256x32xf32>
    %get3A_8 = vector.shape_cast %get3A_7 : vector<1x256x32xf32> to vector<256x32xf32>
    %mul3A = arith.mulf %get3A_8, %get3A_8 : vector<256x32xf32>
    %reduce_sum3A = arith.constant dense<0.000000e+00> : vector<256xf32>
    %reduce_sum3A_9 = vector.multi_reduction <add>, %mul3A, %reduce_sum3A [1] : vector<256x32xf32> to vector<256xf32>
    %mul3A_10 = arith.constant -2.000000e+00 : f32
    %mul3A_11 = vector.broadcast %mul3A_10 : f32 to vector<256x32xf32>
    %mul3A_12 = arith.mulf %get3A_8, %mul3A_11 : vector<256x32xf32>
    %dot_general3A = arith.constant dense<0.000000e+00> : vector<8192x256xf32>
    %dot_general3A_13 = tpu.matmul %get3A_3, %mul3A_12, %dot_general3A {dimension_numbers = #tpu.dot_dimension_numbers<[1], [1], [0], [0], [0, 0, 1, 0], [], []>, transpose_lhs_hint = false} : vector<8192x32xf32>, vector<256x32xf32>, vector<8192x256xf32> -> vector<8192x256xf32>
    %broadcast_in_dim3A = vector.shape_cast %reduce_sum3A_9 : vector<256xf32> to vector<1x256xf32>
    %add3A = vector.broadcast %broadcast_in_dim3A : vector<1x256xf32> to vector<8192x256xf32>
    %add3A_14 = arith.addf %dot_general3A_13, %add3A : vector<8192x256xf32>
    %argmin3A = tpu.reduce_index %add3A_14 {axis = 1 : i32, kind = #tpu.reduction_kind<arg_min>} : vector<8192x256xf32> -> vector<8192xi32>
    %swap3A = arith.constant 0 : index
    %swap3A_15 = arith.constant 0 : index
    %swap3A_16 = arith.constant 0 : index
    %swap3A_17 = vector.load %arg4[%swap3A, %swap3A_15, %swap3A_16] : memref<1x1x8192xi32, #tpu.memory_space<vmem>>, vector<1x1x8192xi32>
    %swap3A_18 = vector.shape_cast %swap3A_17 : vector<1x1x8192xi32> to vector<8192xi32>
    %swap3A_19 = vector.shape_cast %argmin3A : vector<8192xi32> to vector<1x1x8192xi32>
    tpu.vector_store %arg4[%swap3A, %swap3A_15, %swap3A_16], %swap3A_19 {strides = array<i32>} : memref<1x1x8192xi32, #tpu.memory_space<vmem>>, vector<1x1x8192xi32>,
    return
  }
  func.func @transform_0(%arg0: i32, %arg1: i32) -> (i32, i32, i32) {
    %c0_i32 = arith.constant 0 : i32
    %c0_i32_0 = arith.constant 0 : i32
    return %arg0, %arg1, %c0_i32 : i32, i32, i32
  }
  func.func @transform_1(%arg0: i32, %arg1: i32) -> (i32, i32, i32) {
    %c0_i32 = arith.constant 0 : i32
    %c0_i32_0 = arith.constant 0 : i32
    %c0_i32_1 = arith.constant 0 : i32
    return %arg0, %c0_i32, %c0_i32_0 : i32, i32, i32
  }
  func.func @transform_2(%arg0: i32, %arg1: i32) -> (i32, i32, i32) {
    %mul3A = arith.constant 2 : i32
    %mul3A_0 = arith.muli %arg0, %mul3A : i32
    %add3A = arith.addi %mul3A_0, %arg1 : i32
    %c0_i32 = arith.constant 0 : i32
    %c0_i32_1 = arith.constant 0 : i32
    %c0_i32_2 = arith.constant 0 : i32
    return %add3A, %c0_i32, %c0_i32_1 : i32, i32, i32
  }
}

</mosaic_0001>

<sc_bundles>
// kernel: kernel.4.cloned.1.call-start
scs
__scs_entry_jumppad:
0x0: {  	(pc) =	sbr.rel $0x88, $3  }
0x1: {  	(tag) =	ssettag $0x0;
	lr =	simm.s32 $0x1  }
0x2: {  	[smem:$0x3F9F] =	sst lr;
	_ =	strace $0xD0000000  }
0x3: {  	_ = 	snop  }
0x4: {  	_ = 	snop  }
0x5: {  	_ = 	snop  }
0x6: {  	_ = 	snop  }
0x7: {  	_ = 	snop  }
__scs_overlays_trampoline_lowered:
0x8: {  	[smem:$0x3FAE] =	sst s0  }
0x9: {  	[smem:$0x3FAF] =	sst s1  }
0xa: {  	[smem:$0x3FB0] =	sst s2  }
0xb: {  	[smem:$0x3FB1] =	sst s3  }
0xc: {  	[smem:$0x3FB2] =	sst s4  }
0xd: {  	[smem:$0x3FB3] =	sst s5  }
0xe: {  	[smem:$0x3FB4] =	sst s6  }
0xf: {  	[smem:$0x3FB5] =	sst s7  }
0x10: {  	[smem:$0x3FB6] =	sst s8  }
0x11: {  	[smem:$0x3FB7] =	sst s9;
	s0 =	simm.s32 @!p0 $0x0  }
0x12: {  	s1 =	sld [smem:$0x3F9D];
	s0 =	simm.s32 @p0 $0x1  }
0x13: {  	[smem:$0x3FB8] =	sst s0;
	s0 =	simm.s32 @!p1 $0x0  }
0x14: {  	s2 =	sld [smem:$0x3F9C];
	s0 =	simm.s32 @p1 $0x1  }
0x15: {  	[smem:$0x3FB9] =	sst s0;
	s0 =	simm.s32 @!p2 $0x0  }
0x16: {  	s3 =	sld [smem:$0x3FDB];
	s0 =	simm.s32 @p2 $0x1  }
0x17: {  	s4 =	simm.s32 $0x1BF5;
	[smem:$0x3FBB] =	sst s0  }
0x18: {  	s0 =	sld [smem:$0x3F9E];
	_ =	swait.ge [sflag:s4], $0x0  }
0x19: {  	s7 =	sld [smem:$0x3F9F]  }
0x1a: {  	s8 =	sadd.s32 $0xFFFFE003, lr  }
0x1b: {  	s9 =	sadd.s32 $0xFFFFFEF7, lr;
	s5 =	simm.s32 $0xFFFFFFFF;
	p2 =	slt.u32 s8, $0xFFFFF086  }
0x1c: {  	p1 =	slt.u32 s9, $0xF7A;
	s5 =	simm.s32 @!p2 $0x0  }
0x1d: {  	s5 =	simm.s32 @p1 $0x1;
	p0 =	seq.s32 s7, s2  }
0x1e: {  	s7 =	smul.u32 @!p0 $0xF7A, s2;
	p2 =	seq.s32 @!p0 s5, $0x0  }
0x1f: {  	s9 =	smul.u32 $0xF7A, s1;
	s8 =	simm.s32 @!p0 $0x1BF5;
	p2 =	por !p2, p0  }
0x20: {  	[sflag:s8] =	ssyncset.s32 @!p0 $0xFFFFF086;
	s6 =	sadd.s32 @!p0 s3, s7;
	s7 =	simm.s32 @!p0 $0x108  }
0x21: {  	s3 =	sadd.s32 s3, s9;
	s6 =	sadd.s32 @!p0 $0x88, s6;
	s7 =	simm.s32 @p2 $0x1082  }
0x22: {  	[simem:s7], [sflag:s8] =	dma.local @!p0 [hbm:s6], $0xF7A  }
0x23: {  	s9 =	sor.u32 $0xD0000000, s2;
	s6 =	simm.s32 $0x108;
	_ =	swait.ge @!p0 [sflag:s8], $0x0  }
0x24: {  	s3 =	sadd.s32 $0x88, s3;
	s6 =	simm.s32 @!p1 $0x1082;
	[sflag:s4] =	ssyncset.s32 $0xFFFFF086  }
0x25: {  	[simem:s6], [sflag:s4] =	dma.local [hbm:s3], $0xF7A  }
0x26: {  	[smem:$0x3F9F] =	sst s1;
	(tag) =	ssettag s2;
	_ =	strace s9  }
0x27: {  	s1 =	sld [smem:$0x3FAF]  }
0x28: {  	s2 =	sld [smem:$0x3FB0]  }
0x29: {  	s4 =	sld [smem:$0x3FB2]  }
0x2a: {  	p0 =	seq.s32 s5, $0x0;
	s5 =	sld [smem:$0x3FB3]  }
0x2b: {  	s6 =	sld [smem:$0x3FB4]  }
0x2c: {  	s7 =	sld [smem:$0x3FB5]  }
0x2d: {  	s3 =	simm.s32 $0x108;
	s8 =	sld [smem:$0x3FB6]  }
0x2e: {  	s3 =	simm.s32 @!p0 $0x1082;
	s9 =	sld [smem:$0x3FB7]  }
0x2f: {  	lr =	sadd.s32 s0, s3;
	s0 =	sld [smem:$0x3FAE]  }
0x30: {  	s3 =	sld [smem:$0x3FB1]  }
0x31: {  	[smem:$0x3FBA] =	sst s10  }
0x32: {  	s10 =	sld [smem:$0x3FB8];
	_ =	sdelay $0x3  }
0x33: {  	p0 =	seq.s32 s10, $0x1;
	s10 =	sld [smem:$0x3FBA];
	_ =	sdelay $0x3  }
0x34: {  	[smem:$0x3FBA] =	sst s10  }
0x35: {  	s10 =	sld [smem:$0x3FB9];
	_ =	sdelay $0x3  }
0x36: {  	p1 =	seq.s32 s10, $0x1;
	s10 =	sld [smem:$0x3FBA];
	_ =	sdelay $0x3  }
0x37: {  	[smem:$0x3FBA] =	sst s10  }
0x38: {  	s10 =	sld [smem:$0x3FBB]  }
0x39: {  	_ = 	snop;
	(pc) =	sbr.ind lr, $3  }
0x3a: {  	_ = 	snop  }
0x3b: {  	_ = 	snop  }
0x3c: {  	p2 =	seq.s32 s10, $0x1;
	s10 =	sld [smem:$0x3FBA]  }
0x3d: {  	_ =	shalt  }
0x3e: {  	_ =	shalt  }
0x3f: {  	_ =	shalt  }
0x40: {  	_ =	shalt  }
0x41: {  	_ =	shalt  }
0x42: {  	_ =	shalt  }
0x43: {  	_ =	shalt  }
0x44: {  	_ =	shalt  }
0x45: {  	_ =	shalt  }
0x46: {  	_ =	shalt  }
0x47: {  	_ =	shalt  }
0x48: {  	_ =	shalt  }
0x49: {  	_ =	shalt  }
0x4a: {  	_ =	shalt  }
0x4b: {  	_ =	shalt  }
0x4c: {  	_ =	shalt  }
0x4d: {  	_ =	shalt  }
0x4e: {  	_ =	shalt  }
0x4f: {  	_ =	shalt  }
0x50: {  	_ =	shalt  }
0x51: {  	_ =	shalt  }
0x52: {  	_ =	shalt  }
0x53: {  	_ =	shalt  }
0x54: {  	_ =	shalt  }
0x55: {  	_ =	shalt  }
0x56: {  	_ =	shalt  }
0x57: {  	_ =	shalt  }
0x58: {  	_ =	shalt  }
0x59: {  	_ =	shalt  }
0x5a: {  	_ =	shalt  }
0x5b: {  	_ =	shalt  }
0x5c: {  	_ =	shalt  }
0x5d: {  	_ =	shalt  }
0x5e: {  	_ =	shalt  }
0x5f: {  	_ =	shalt  }
0x60: {  	_ =	shalt  }
0x61: {  	_ =	shalt  }
0x62: {  	_ =	shalt  }
0x63: {  	_ =	shalt  }
0x64: {  	_ =	shalt  }
0x65: {  	_ =	shalt  }
0x66: {  	_ =	shalt  }
0x67: {  	_ =	shalt  }
0x68: {  	_ =	shalt  }
0x69: {  	_ =	shalt  }
0x6a: {  	_ =	shalt  }
0x6b: {  	_ =	shalt  }
0x6c: {  	_ =	shalt  }
0x6d: {  	_ =	shalt  }
0x6e: {  	_ =	shalt  }
0x6f: {  	_ =	shalt  }
0x70: {  	_ =	shalt  }
0x71: {  	_ =	shalt  }
0x72: {  	_ =	shalt  }
0x73: {  	_ =	shalt  }
0x74: {  	_ =	shalt  }
0x75: {  	_ =	shalt  }
0x76: {  	_ =	shalt  }
0x77: {  	_ =	shalt  }
0x78: {  	_ =	shalt  }
0x79: {  	_ =	shalt  }
0x7a: {  	_ =	shalt  }
0x7b: {  	_ =	shalt  }
0x7c: {  	_ =	shalt  }
0x7d: {  	_ =	shalt  }
0x7e: {  	_ =	shalt  }
0x7f: {  	_ =	shalt  }
0x80: {  	_ =	shalt  }
0x81: {  	_ =	shalt  }
0x82: {  	_ =	shalt  }
0x83: {  	_ =	shalt  }
0x84: {  	_ =	shalt  }
0x85: {  	_ =	shalt  }
0x86: {  	_ =	shalt  }
0x87: {  	_ =	shalt  }
.Lfunc_end0:
.L_simem_size_0:
called_computation_lowered:
.L_overlay_start_0:
0x88: {  	s2 =	sld [smem:$0x3FD9]  }
0x89: {  	s3 =	sld [smem:$0x3FFE];
	_ =	sdelay $0x1  }
0x8a: {  	s1 =	srdreg.scid  }
0x8b: {  	s0 =	sand.u32 $0x1, s1  }
0x8c: {  	s14 =	sshll.u32 s0, $0xA;
	s2 =	sadd.s32 s3, s2  }
0x8d: {  	s2 =	sadd.s32 s2, s14  }
0x8e: {  	[smem:$0x3FC6] =	sst s2  }
0x8f: {  	_ = 	snop  }
0x90: {  	s2 =	sld [smem:$0x3FD0];
	_ =	sdelay $0x2  }
0x91: {  	s15 =	simm.s32 $0xA;
	s4 =	simm.s32 $0x10  }
0x92: {  	[smem:s4], [sflag:s15] =	dma.local [hbm:s2], $0x1  }
0x93: {  	_ =	swait.eq [sflag:s15], $0x1  }
0x94: {  	[sflag:s15] =	ssyncset.done $0x0  }
0x95: {  	[sflag:s15] =	ssyncadd.s32 $0xFFFFFFFF  }
0x96: {  	s16 =	sld [smem:$0x11];
	(tm) =	ssettm $0x1  }
0x97: {  	s17 =	sld [smem:$0x3FFB];
	_ =	sdelay $0x3  }
0x98: {  	_ =	strace s17  }
0x99: {  	s3 =	sld [smem:$0x3FFC];
	_ =	sdelay $0x3  }
0x9a: {  	_ =	strace s3  }
0x9b: {  	s3 =	sld [smem:$0x3FFD];
	_ =	sdelay $0x3  }
0x9c: {  	_ =	strace s3  }
0x9d: {  	_ =	strace $0x8FFFFFFF  }
0x9e: {  	s18 =	sld [smem:$0x3FDB];
	_ =	sdelay $0x1  }
0x9f: {  	s19 =	simm.s32 $_scs_section_size  }
0xa0: {  	s5 =	simm.s32 $_size__tile_overlayer_lowered;
	s6 =	simm.s32 $_tile_overlayer_lowered  }
0xa1: {  	s22 =	simm.s32 $0x1BFF;
	s21 =	sshll.u32 s6, $0x1;
	s3 =	sadd.s32 s19, s18  }
0xa2: {  	s7 =	simm.s32 $0x0;
	s20 =	sshll.u32 s5, $0x1;
	s5 =	sadd.s32 s21, s3  }
0xa3: {  	[timem:s7], [sflag:s22] =	dma.local [hbm:s5], s20  }
0xa4: {  	_ =	swait.ge [sflag:s22], s20  }
0xa5: {  	s4 =	ssub.s32 $0x0, s20;
	[sflag:s22] =	ssyncset.done $0x0  }
0xa6: {  	[sflag:s22] =	ssyncadd.s32 s4;
	_ =	sdelay $0x1  }
0xa7: {  	s23 =	simm.s32 $0x1B8B  }
0xa8: {  	_ =	swait.ge [sflag:s23], $0x1  }
0xa9: {  	[sflag:s23] =	ssyncset.done $0x0  }
0xaa: {  	s25 =	simm.s32 $0x1B8E;
	s24 =	sld [smem:$0x3FFE];
	[sflag:s23] =	ssyncadd.s32 $0xFFFFFFFF  }
0xab: {  	s26 =	simm.s32 $execute0_lowered;
	[smem:$0x3FD2] =	sst s25  }
0xac: {  	s5 =	sshll.u32 s26, $0x1;
	_ =	strace $0x80000046;
	[dreg:$0x1] =	wrdreg $0xFFFFFFFF  }
0xad: {  	s28 =	simm.s32 $_size_execute0_lowered;
	s3 =	sadd.s32 s3, s5;
	[dreg:$0x0] =	wrdreg $0x0  }
0xae: {  	s5 =	sshll.u32 s28, $0x1;
	[dreg:$0x2] =	wrdreg s3  }
0xaf: {  	[dreg:$0x3] =	wrdreg s5  }
0xb0: {  	[dreg:$0x4] =	wrdreg $0xC0  }
0xb1: {  	_ =	task [dreg:s7], $0x5FFFF  }
0xb2: {  	[dreg:$0x1] =	wrdreg $0xFFFFFFFF  }
0xb3: {  	[dreg:$0x0] =	wrdreg $0x60  }
0xb4: {  	[dreg:$0x2] =	wrdreg s24  }
0xb5: {  	[dreg:$0x3] =	wrdreg s16  }
0xb6: {  	[dreg:$0x4] =	wrdreg $0x101000  }
0xb7: {  	[dreg:$0x5] =	wrdreg $0x9  }
0xb8: {  	_ =	task.clear_ibuf [dreg:s7], $0x6FFFF;
	_ =	strace $0x90000046  }
0xb9: {  	s29 =	simm.s32 $0x9;
	_ =	strace $0x80000048  }
0xba: {  	_ =	swait.ge [sflag:s29], $0x1  }
0xbb: {  	[sflag:s29] =	ssyncadd.s32 $0xFFFFFFFF  }
0xbc: {  	_ =	strace $0x90000048  }
0xbd: {  	_ =	sfence  }
0xbe: {  	s30 =	sld [smem:$0x0];
	_ =	sdelay $0x2  }
0xbf: {  	s31 =	sshll.u32 s1, $0xD;
	s1 =	sshrl.u32 s1, $0x2  }
0xc0: {  	s3 =	sand.u32 $0x4000, s31;
	s1 =	sadd.s32 s1, s30  }
0xc1: {  	s0 =	sor.u32 s3, s0;
	s1 =	sshll.u32 s1, $0x11  }
0xc2: {  	s0 =	sor.u32 s1, s0  }
0xc3: {  	s0 =	sadd.s32 $0x8F2B, s0  }
0xc4: {  	[sflag:s0] =	ssyncadd.remote.s32 $0x1  }
0xc5: {  	_ =	sfence.sel $0xFFFF  }
0xc6: {  	[dreg:$0x0] =	wrdreg $0xFFFFFFFF;
	(pc) =	sbr.abs _section_cstart, $3  }
0xc7: {  	[dreg:$0x1] =	wrdreg $0xFFFFFFFF  }
0xc8: {  	_ =	task.clear_ibuf [dreg:s7], $0x2FFFF;
	_ =	strace $0x9FFFFFFF  }
0xc9: {  	(tm) =	ssettm $0x7FFFFFFF  }
tec
execute0_lowered:
.L_overlay_start_1:
0x0: {  	(tag) =	ssettag $0x1  }
0x1: {  	s0 =	rddreg [dreg:$0x0]  }
0x2: {  	s1 =	rddreg [dreg:$0x1]  }
0x3: {  	s2 =	rddreg [dreg:$0x2]  }
0x4: {  	s4 =	srdreg.scid;
	s3 =	simm.s32 $0x0;
	s11 =	stileid.u32  }
0x5: {  	s28 =	simm.s32 $0x2;
	s29 =	simm.s32 $0x4;
	s30 =	simm.s32 $0xC000  }
0x6: {  	s7 =	sand.u32 $0x1, s4;
	[smem:$0x7FF] =	sst s3;
	s15 =	sshll.u32 s11, $0xB  }
0x7: {  	s4 =	sadd.s32 $0x10200, s0;
	s9 =	sand.u32 $0x7, s11;
	s10 =	sshrl.u32 s11, $0x3  }
0x8: {  	s11 =	sshll.u32 s11, $0xE;
	s5 =	sshll.u32 s7, $0xF;
	_ =	strace $0x80000047  }
0x9: {  	s6 =	ssub.s32 $0x2, s7;
	s31 =	sshll.u32 s9, $0x8;
	s17 =	sshll.u32 s7, $0x18  }
0xa: {  	s18 =	sshll.u32 s9, $0x15;
	s12 =	sshll.u32 s10, $0x14;
	s14 =	sshll.u32 s10, $0xD  }
0xb: {  	s7 =	sshll.u32 s7, $0x11;
	s9 =	sshll.u32 s9, $0x7;
	s10 =	sshll.u32 s10, $0x10  }
0xc: {  	s5 =	sor.u32 s15, s5;
	s16 =	sshrl.u32 s6, $0x1;
	s20 =	sor.u32 $0x80, s14  }
0xd: {  	s7 =	sor.u32 s9, s7;
	s22 =	sor.u32 $0x100, s14;
	s13 =	sor.u32 $0x180, s14  }
0xe: {  	s14 =	sor.u32 $0x200, s14;
	v0 =	vmov s31;
	s31 =	simm.s32 $0x5;
	s0 =	sadd.s32 s5, s0  }
0xf: {  	s8 =	ssub.s32 s6, s16;
	s5 =	sor.u32 s17, s18;
	s6 =	sadd.s32 s11, s2  }
0x10: {  	s21 =	sshll.u32 s20, $0x7;
	s10 =	sor.u32 s10, s7;
	s23 =	sshll.u32 s20, $0x3  }
0x11: {  	s24 =	sshll.u32 s22, $0x7;
	s26 =	sshrl.u32 s7, $0x3;
	s20 =	simm.s32 $0x7  }
0x12: {  	s19 =	sor.u32 s12, s5;
	s9 =	sor.u32 s5, s21;
	s10 =	sshrl.u32 s10, $0x3  }
0x13: {  	s15 =	sadd.s32 $0x200, s0;
	s16 =	sadd.s32 $0x410200, s0;
	s17 =	smax.u32 s8, $0x1  }
0x14: {  	s18 =	sadd.s32 s1, s26;
	s21 =	simm.s32 $0x10000;
	s26 =	simm.s32 $0x10080  }
0x15: {  	s0 =	simm.s32 $0x6;
	s11 =	sshrl.u32 s19, $0x3;
	s10 =	sadd.s32 s1, s10  }
0x16: {  	s9 =	sshrl.u32 s9, $0x3;
	s11 =	sadd.s32 s4, s11;
	[dreg:$0x5] =	wrdreg s10  }
0x17: {  	s19 =	simm.s32 $0x8000;
	s9 =	sadd.s32 s4, s9;
	[dreg:$0x4] =	wrdreg s11  }
0x18: {  	s10 =	sor.u32 s23, s7;
	s23 =	simm.s32 $0x3;
	[dreg:$0x6] =	wrdreg s9  }
0x19: {  	s9 =	sshll.u32 s22, $0x3;
	s11 =	sor.u32 s5, s24;
	s10 =	sshrl.u32 s10, $0x3  }
0x1a: {  	s22 =	simm.s32 $0x1;
	s11 =	sshrl.u32 s11, $0x3;
	s10 =	sadd.s32 s1, s10  }
0x1b: {  	s9 =	sor.u32 s9, s7;
	[dreg:$0x7] =	wrdreg s10;
	s25 =	sadd.s32 s4, s11  }
0x1c: {  	s24 =	simm.s32 $0x80;
	s9 =	sshrl.u32 s9, $0x3;
	[dreg:$0x8] =	wrdreg s25  }
0x1d: {  	v1 =	vimm.f32 $0.0e+00;
	v2 =	vimm.f32 $1.000000000e+00;
	s12 =	sadd.s32 s1, s9;
	s25 =	simm.s32 $0x4000;
	s1 =	simm.s32 $0x0  }
.LBB2_1:
0x1e: {  	s7 =	simm.s32 $0x0;
	s8 =	simm.s32 $0x200  }
.LBB2_2:
0x1f: {  	p0 =	sne.s32 s8, $0xFE00;
	[tilespmem:s7+$0x8070] =	vst v1  }
0x20: {  	[tilespmem:s7+$0x8000] =	vst v1  }
0x21: {  	[tilespmem:s7+$0x8010] =	vst v1  }
.Ltmp0:
0x22: {  	[tilespmem:s7+$0x8020] =	vst v1;
	(pc) =	sbr.rel @p0 .LBB2_2-.Ltmp0, $4  }
0x23: {  	[tilespmem:s7+$0x8030] =	vst v1  }
0x24: {  	[tilespmem:s7+$0x8040] =	vst v1  }
0x25: {  	[tilespmem:s7+$0x8050] =	vst v1  }
0x26: {  	[tilespmem:s7+$0x8060] =	vst v1;
	s7 =	sshra.s32 s8, $0x2;
	s8 =	sadd.s32 $0x200, s8  }
0x27: {  	[tilespmem:s7+$0x8070] =	vst v1  }
0x28: {  	[tilespmem:s7+$0x8000] =	vst v1  }
0x29: {  	[tilespmem:s7+$0x8010] =	vst v1  }
0x2a: {  	[tilespmem:s7+$0x8020] =	vst v1  }
0x2b: {  	[tilespmem:s7+$0x8030] =	vst v1  }
0x2c: {  	[tilespmem:s7+$0x8040] =	vst v1  }
0x2d: {  	[tilespmem:s7+$0x8050] =	vst v1  }
0x2e: {  	[tilespmem:s7+$0x8060] =	vst v1  }
0x2f: {  	[spmem:s6] =	stream.linear.scatter [tilespmem:s19], [sflag:$0x7], $0x4000, $0x38;
	[tilespmem:$0x14100] =	vst v63  }
0x30: {  	_ =	swait.ge [sflag:s20], $0x4000  }
0x31: {  	[sflag:s20] =	ssyncset.done $0x0  }
0x32: {  	s7 =	simm.s32 $0x0;
	s8 =	simm.s32 $0x200;
	[sflag:s20] =	ssyncadd.s32 $0xFFFFC000  }
.LBB2_4:
0x33: {  	p0 =	sne.s32 s8, $0xFE00;
	[tilespmem:s7+$0xC070] =	vst v1  }
0x34: {  	[tilespmem:s7+$0x8020] =	vst v2  }
.Ltmp1:
0x35: {  	[tilespmem:s7+$0xC020] =	vst v2;
	(pc) =	sbr.rel @p0 .LBB2_4-.Ltmp1, $4  }
0x36: {  	[tilespmem:s7+$0xC030] =	vst v1  }
0x37: {  	[tilespmem:s7+$0xC040] =	vst v1  }
0x38: {  	[tilespmem:s7+$0xC050] =	vst v1  }
0x39: {  	[tilespmem:s7+$0xC060] =	vst v1;
	s7 =	sshra.s32 s8, $0x2;
	s8 =	sadd.s32 $0x200, s8  }
0x3a: {  	[tilespmem:s7+$0xC070] =	vst v1  }
0x3b: {  	[tilespmem:s7+$0x8020] =	vst v2  }
0x3c: {  	[tilespmem:s7+$0xC020] =	vst v2  }
0x3d: {  	[tilespmem:s7+$0xC030] =	vst v1  }
0x3e: {  	[tilespmem:s7+$0xC040] =	vst v1  }
0x3f: {  	[tilespmem:s7+$0xC050] =	vst v1  }
0x40: {  	[tilespmem:s7+$0xC060] =	vst v1  }
0x41: {  	[bflag:$0x0] =	sbarrier.arrive $0xFFFF  }
0x42: {  	s10 =	simm.s32 $0x0;
	s8 =	rddreg [dreg:$0x4]  }
0x43: {  	[tilespmem:s10], [sflag:$0x1] =	stream.linear.gather [hbm4b:s8+s10], $0x4000, $0x38;
	[tilespmem:$0x14100] =	vst v63  }
0x44: {  	s11 =	rddreg [dreg:$0x5]  }
0x45: {  	[tilespmem:s21], [sflag:$0x3] =	stream.linear.gather [hbm4b:s11+s10], $0x80, $0x38;
	[tilespmem:$0x14100] =	vst v63  }
0x46: {  	_ =	swait.ge [sflag:s22], $0x4000  }
0x47: {  	[sflag:s22] =	ssyncset.done $0x0  }
0x48: {  	[sflag:s22] =	ssyncadd.s32 $0xFFFFC000  }
0x49: {  	_ =	swait.ge [sflag:s23], $0x80  }
0x4a: {  	[sflag:s23] =	ssyncset.done $0x0  }
0x4b: {  	s7 =	simm.s32 $0x0;
	[sflag:s23] =	ssyncadd.s32 $0xFFFFFF80  }
0x4c: {  	v3 =	vld [tilespmem:s7+$0x10]  }
0x4d: {  	s8 =	simm.s32 $0x200;
	v4 =	vld [tilespmem:s7+$0x0]  }
.LBB2_6:
0x4e: {  	p0 =	sne.s32 s8, $0xFE00  }
.Ltmp2:
0x4f: {  	_ = 	snop;
	(pc) =	sbr.rel @p0 .LBB2_6-.Ltmp2, $4  }
0x50: {  	_ = 	snop  }
0x51: {  	s9 =	sshra.s32 s8, $0x2;
	s8 =	sadd.s32 $0x200, s8;
	[tilespmem:s7+$0x8010] =	vst v3  }
0x52: {  	v3 =	vld [tilespmem:s9+$0x10];
	[tilespmem:s7+$0x8000] =	vst v4;
	s7 =	smov.u32 s9  }
0x53: {  	v4 =	vld [tilespmem:s7+$0x0]  }
0x54: {  	_ =	sdelay $0x2  }
0x55: {  	[tilespmem:s7+$0x8010] =	vst v3  }
0x56: {  	[tilespmem:s7+$0x8000] =	vst v4  }
0x57: {  	v3 =	vld [tilespmem:$0x10000]  }
0x58: {  	v4 =	vld [tilespmem:$0x10010]  }
0x59: {  	v5 =	vld [tilespmem:$0x10020]  }
0x5a: {  	v6 =	vld [tilespmem:$0x10030]  }
0x5b: {  	v7 =	vld [tilespmem:$0x10040]  }
0x5c: {  	v8 =	vld [tilespmem:$0x10050];
	v3 =	vadd.s32 v0, v3  }
0x5d: {  	[tilespmem:$0x10000] =	vst v3;
	v3 =	vadd.s32 v0, v4;
	v4 =	vld [tilespmem:$0x10060]  }
0x5e: {  	[tilespmem:$0x10010] =	vst v3;
	v3 =	vadd.s32 v0, v5;
	v5 =	vld [tilespmem:$0x10070]  }
0x5f: {  	[tilespmem:$0x10020] =	vst v3;
	v3 =	vadd.s32 v0, v6  }
0x60: {  	[tilespmem:$0x10030] =	vst v3;
	v3 =	vadd.s32 v0, v7  }
0x61: {  	[tilespmem:$0x10040] =	vst v3;
	v3 =	vadd.s32 v0, v8  }
0x62: {  	[tilespmem:$0x10050] =	vst v3;
	v3 =	vadd.s32 v0, v4  }
0x63: {  	[tilespmem:$0x10060] =	vst v3;
	v3 =	vadd.s32 v0, v5  }
0x64: {  	[tilespmem:$0x10070] =	vst v3  }
0x65: {  	[spmem:s2] =	stream.indirect.scatter.add.f32 [tilespmem:s19], [sflag:$0x5], $0x80, s21, s24, $0xb8;
	[tilespmem:$0x14100] =	vst v63  }
0x66: {  	s10 =	simm.s32 $0x0;
	s8 =	rddreg [dreg:$0x6]  }
0x67: {  	[tilespmem:s25], [sflag:$0x2] =	stream.linear.gather [hbm4b:s8+s10], $0x4000, $0x38;
	[tilespmem:$0x14100] =	vst v63  }
0x68: {  	s11 =	rddreg [dreg:$0x7]  }
0x69: {  	[tilespmem:s26], [sflag:$0x4] =	stream.linear.gather [hbm4b:s11+s10], $0x80, $0x38;
	[tilespmem:$0x14100] =	vst v63  }
0x6a: {  	_ =	swait.ge [sflag:s28], $0x4000  }
0x6b: {  	[sflag:s28] =	ssyncset.done $0x0  }
0x6c: {  	[sflag:s28] =	ssyncadd.s32 $0xFFFFC000  }
0x6d: {  	_ =	swait.ge [sflag:s29], $0x80  }
0x6e: {  	[sflag:s29] =	ssyncset.done $0x0  }
0x6f: {  	s7 =	simm.s32 $0x0;
	[sflag:s29] =	ssyncadd.s32 $0xFFFFFF80  }
0x70: {  	v3 =	vld [tilespmem:s7+$0x4010]  }
0x71: {  	s8 =	simm.s32 $0x200;
	v4 =	vld [tilespmem:s7+$0x4000]  }
.LBB2_8:
0x72: {  	p0 =	sne.s32 s8, $0xFE00  }
.Ltmp3:
0x73: {  	_ = 	snop;
	(pc) =	sbr.rel @p0 .LBB2_8-.Ltmp3, $4  }
0x74: {  	_ = 	snop  }
0x75: {  	s9 =	sshra.s32 s8, $0x2;
	s8 =	sadd.s32 $0x200, s8;
	[tilespmem:s7+$0xC010] =	vst v3  }
0x76: {  	v3 =	vld [tilespmem:s9+$0x4010];
	[tilespmem:s7+$0xC000] =	vst v4;
	s7 =	smov.u32 s9  }
0x77: {  	v4 =	vld [tilespmem:s7+$0x4000]  }
0x78: {  	_ =	sdelay $0x2  }
0x79: {  	[tilespmem:s7+$0xC010] =	vst v3  }
0x7a: {  	[tilespmem:s7+$0xC000] =	vst v4  }
0x7b: {  	v3 =	vld [tilespmem:$0x10080]  }
0x7c: {  	v4 =	vld [tilespmem:$0x10090]  }
0x7d: {  	v5 =	vld [tilespmem:$0x100A0]  }
0x7e: {  	v6 =	vld [tilespmem:$0x100B0]  }
0x7f: {  	v7 =	vld [tilespmem:$0x100C0]  }
0x80: {  	v8 =	vld [tilespmem:$0x100D0];
	v3 =	vadd.s32 v0, v3  }
0x81: {  	v62 =	vld [tilespmem:$0x100E0];
	[tilespmem:$0x10080] =	vst v3;
	v3 =	vadd.s32 v0, v4  }
0x82: {  	v63 =	vld [tilespmem:$0x100F0];
	[tilespmem:$0x10090] =	vst v3;
	v3 =	vadd.s32 v0, v5  }
0x83: {  	[tilespmem:$0x100A0] =	vst v3;
	v3 =	vadd.s32 v0, v6  }
0x84: {  	[tilespmem:$0x100B0] =	vst v3;
	v3 =	vadd.s32 v0, v7  }
0x85: {  	[tilespmem:$0x100C0] =	vst v3;
	v3 =	vadd.s32 v0, v8  }
0x86: {  	[tilespmem:$0x100D0] =	vst v3;
	v3 =	vadd.s32 v0, v62  }
0x87: {  	[tilespmem:$0x100E0] =	vst v3;
	v3 =	vadd.s32 v0, v63  }
0x88: {  	[tilespmem:$0x100F0] =	vst v3  }
0x89: {  	[spmem:s2] =	stream.indirect.scatter.add.f32 [tilespmem:s30], [sflag:$0x6], $0x80, s26, s24, $0xb8;
	[tilespmem:$0x14100] =	vst v63  }
0x8a: {  	_ =	swait.ge [sflag:s31], $0x4000  }
0x8b: {  	[sflag:s31] =	ssyncset.done $0x0  }
0x8c: {  	s7 =	simm.s32 $0x0;
	s8 =	rddreg [dreg:$0x8];
	[sflag:s31] =	ssyncadd.s32 $0xFFFFC000  }
0x8d: {  	[tilespmem:s7], [sflag:$0x1] =	stream.linear.gather [hbm4b:s8+s7], $0x4000, $0x38;
	[tilespmem:$0x14100] =	vst v63  }
0x8e: {  	_ = 	snop  }
0x8f: {  	[tilespmem:s21], [sflag:$0x3] =	stream.linear.gather [hbm4b:s12+s7], $0x80, $0x38;
	[tilespmem:$0x14100] =	vst v63  }
.LBB2_10:
0x90: {  	_ =	swait.ge [sflag:s22], $0x4000  }
0x91: {  	[sflag:s22] =	ssyncset.done $0x0  }
0x92: {  	[sflag:s22] =	ssyncadd.s32 $0xFFFFC000  }
0x93: {  	_ =	swait.ge [sflag:s23], $0x80  }
0x94: {  	[sflag:s23] =	ssyncset.done $0x0  }
0x95: {  	s8 =	simm.s32 $0x0;
	[sflag:s23] =	ssyncadd.s32 $0xFFFFFF80  }
0x96: {  	v3 =	vld [tilespmem:s8+$0x10]  }
0x97: {  	s9 =	simm.s32 $0x200;
	v4 =	vld [tilespmem:s8+$0x0]  }
.LBB2_11:
0x98: {  	p0 =	sne.s32 s9, $0xFE00  }
.Ltmp4:
0x99: {  	_ = 	snop;
	(pc) =	sbr.rel @p0 .LBB2_11-.Ltmp4, $4  }
0x9a: {  	_ = 	snop  }
0x9b: {  	s10 =	sshra.s32 s9, $0x2;
	s9 =	sadd.s32 $0x200, s9;
	[tilespmem:s8+$0x8010] =	vst v3  }
0x9c: {  	v3 =	vld [tilespmem:s10+$0x10];
	[tilespmem:s8+$0x8000] =	vst v4;
	s8 =	smov.u32 s10  }
0x9d: {  	v4 =	vld [tilespmem:s8+$0x0]  }
0x9e: {  	_ =	sdelay $0x2  }
0x9f: {  	[tilespmem:s8+$0x8010] =	vst v3  }
0xa0: {  	[tilespmem:s8+$0x8000] =	vst v4  }
0xa1: {  	v3 =	vld [tilespmem:$0x10000]  }
0xa2: {  	v4 =	vld [tilespmem:$0x10010]  }
0xa3: {  	v5 =	vld [tilespmem:$0x10020]  }
0xa4: {  	v6 =	vld [tilespmem:$0x10030]  }
0xa5: {  	v7 =	vld [tilespmem:$0x10040]  }
0xa6: {  	v8 =	vld [tilespmem:$0x10050];
	v3 =	vadd.s32 v0, v3  }
0xa7: {  	[tilespmem:$0x10000] =	vst v3;
	v3 =	vadd.s32 v0, v4;
	v4 =	vld [tilespmem:$0x10060]  }
0xa8: {  	[tilespmem:$0x10010] =	vst v3;
	v3 =	vadd.s32 v0, v5;
	v5 =	vld [tilespmem:$0x10070]  }
0xa9: {  	[tilespmem:$0x10020] =	vst v3;
	v3 =	vadd.s32 v0, v6  }
0xaa: {  	[tilespmem:$0x10030] =	vst v3;
	v3 =	vadd.s32 v0, v7  }
0xab: {  	[tilespmem:$0x10040] =	vst v3;
	v3 =	vadd.s32 v0, v8  }
0xac: {  	s8 =	sshll.u32 s7, $0x8;
	[tilespmem:$0x10050] =	vst v3;
	v3 =	vadd.s32 v0, v4  }
0xad: {  	s9 =	sadd.s32 s8, s13;
	[tilespmem:$0x10060] =	vst v3;
	v3 =	vadd.s32 v0, v5  }
0xae: {  	s10 =	sshll.u32 s9, $0x7;
	[tilespmem:$0x10070] =	vst v3  }
0xaf: {  	[spmem:s2] =	stream.indirect.scatter.add.f32 [tilespmem:s19], [sflag:$0x5], $0x80, s21, s24, $0xb8;
	[tilespmem:$0x14100] =	vst v63  }
0xb0: {  	s10 =	sadd.s32 s5, s10;
	_ =	swait.ge [sflag:s0], $0x4000  }
0xb1: {  	s10 =	sshrl.u32 s10, $0x3;
	[sflag:s0] =	ssyncset.done $0x0  }
0xb2: {  	s11 =	simm.s32 $0x0;
	s10 =	sadd.s32 s4, s10;
	[sflag:s0] =	ssyncadd.s32 $0xFFFFC000  }
0xb3: {  	[tilespmem:s25], [sflag:$0x2] =	stream.linear.gather [hbm4b:s10+s11], $0x4000, $0x38;
	[tilespmem:$0x14100] =	vst v63  }
0xb4: {  	s9 =	sadd.s32 s18, s9  }
0xb5: {  	[tilespmem:s26], [sflag:$0x4] =	stream.linear.gather [hbm4b:s9+s11], $0x80, $0x38;
	[tilespmem:$0x14100] =	vst v63  }
0xb6: {  	_ =	swait.ge [sflag:s28], $0x4000  }
0xb7: {  	[sflag:s28] =	ssyncset.done $0x0  }
0xb8: {  	[sflag:s28] =	ssyncadd.s32 $0xFFFFC000  }
0xb9: {  	_ =	swait.ge [sflag:s29], $0x80  }
0xba: {  	[sflag:s29] =	ssyncset.done $0x0  }
0xbb: {  	s9 =	simm.s32 $0x0;
	[sflag:s29] =	ssyncadd.s32 $0xFFFFFF80  }
0xbc: {  	v3 =	vld [tilespmem:s9+$0x4010]  }
0xbd: {  	s10 =	simm.s32 $0x200;
	v4 =	vld [tilespmem:s9+$0x4000]  }
.LBB2_13:
0xbe: {  	p0 =	sne.s32 s10, $0xFE00  }
.Ltmp5:
0xbf: {  	_ = 	snop;
	(pc) =	sbr.rel @p0 .LBB2_13-.Ltmp5, $4  }
0xc0: {  	_ = 	snop  }
0xc1: {  	s11 =	sshra.s32 s10, $0x2;
	s10 =	sadd.s32 $0x200, s10;
	[tilespmem:s9+$0xC010] =	vst v3  }
0xc2: {  	v3 =	vld [tilespmem:s11+$0x4010];
	[tilespmem:s9+$0xC000] =	vst v4;
	s9 =	smov.u32 s11  }
0xc3: {  	v4 =	vld [tilespmem:s9+$0x4000]  }
0xc4: {  	_ =	sdelay $0x2  }
0xc5: {  	[tilespmem:s9+$0xC010] =	vst v3  }
0xc6: {  	[tilespmem:s9+$0xC000] =	vst v4  }
0xc7: {  	v3 =	vld [tilespmem:$0x10080]  }
0xc8: {  	v4 =	vld [tilespmem:$0x10090]  }
0xc9: {  	v5 =	vld [tilespmem:$0x100A0]  }
0xca: {  	v6 =	vld [tilespmem:$0x100B0]  }
0xcb: {  	v7 =	vld [tilespmem:$0x100C0]  }
0xcc: {  	v8 =	vld [tilespmem:$0x100D0];
	v3 =	vadd.s32 v0, v3  }
0xcd: {  	v62 =	vld [tilespmem:$0x100E0];
	[tilespmem:$0x10080] =	vst v3;
	v3 =	vadd.s32 v0, v4  }
0xce: {  	v63 =	vld [tilespmem:$0x100F0];
	[tilespmem:$0x10090] =	vst v3;
	v3 =	vadd.s32 v0, v5  }
0xcf: {  	[tilespmem:$0x100A0] =	vst v3;
	v3 =	vadd.s32 v0, v6  }
0xd0: {  	[tilespmem:$0x100B0] =	vst v3;
	v3 =	vadd.s32 v0, v7  }
0xd1: {  	[tilespmem:$0x100C0] =	vst v3;
	v3 =	vadd.s32 v0, v8  }
0xd2: {  	[tilespmem:$0x100D0] =	vst v3;
	v3 =	vadd.s32 v0, v62  }
0xd3: {  	p0 =	seq.s32 s7, $0x1E;
	[tilespmem:$0x100E0] =	vst v3;
	v3 =	vadd.s32 v0, v63  }
.Ltmp6:
0xd4: {  	[tilespmem:$0x100F0] =	vst v3;
	(pc) =	sbr.rel @p0 .LBB2_16-.Ltmp6, $4  }
0xd5: {  	[spmem:s2] =	stream.indirect.scatter.add.f32 [tilespmem:s30], [sflag:$0x6], $0x80, s26, s24, $0xb8;
	[tilespmem:$0x14100] =	vst v63  }
0xd6: {  	_ =	swait.ge [sflag:s31], $0x4000  }
0xd7: {  	[sflag:s31] =	ssyncset.done $0x0  }
0xd8: {  	[sflag:s31] =	ssyncadd.s32 $0xFFFFC000  }
0xd9: {  	s8 =	sadd.s32 s8, s14  }
0xda: {  	s9 =	sshll.u32 s8, $0x7  }
0xdb: {  	s9 =	sadd.s32 s5, s9  }
.Ltmp7:
0xdc: {  	s9 =	sshrl.u32 s9, $0x3;
	(pc) =	sbr.rel .LBB2_10-.Ltmp7, $4  }
0xdd: {  	s9 =	sadd.s32 s4, s9  }
0xde: {  	[tilespmem:s3], [sflag:$0x1] =	stream.linear.gather [hbm4b:s9+s3], $0x4000, $0x38;
	[tilespmem:$0x14100] =	vst v63  }
0xdf: {  	s7 =	sadd.s32 $0x1, s7;
	s8 =	sadd.s32 s18, s8  }
0xe0: {  	[tilespmem:s21], [sflag:$0x3] =	stream.linear.gather [hbm4b:s8+s3], $0x80, $0x38;
	[tilespmem:$0x14100] =	vst v63  }
.LBB2_16:
0xe1: {  	_ =	swait.ge [sflag:s0], $0x4000  }
0xe2: {  	[sflag:s0] =	ssyncset.done $0x0  }
0xe3: {  	[sflag:s0] =	ssyncadd.s32 $0xFFFFC000  }
0xe4: {  	[bflag:$0x0] =	sbarrier.arrive $0xFFFF  }
0xe5: {  	[tilespmem:s19], [sflag:$0x7] =	stream.linear.gather [spmem:s6], $0x4000, $0x38;
	[tilespmem:$0x14100] =	vst v63  }
0xe6: {  	_ =	swait.ge [sflag:s20], $0x4000  }
0xe7: {  	[sflag:s20] =	ssyncset.done $0x0  }
0xe8: {  	s7 =	simm.s32 $0x0;
	[sflag:s20] =	ssyncadd.s32 $0xFFFFC000  }
0xe9: {  	[tilespmem:s7], [sflag:$0x7] =	stream.linear.gather [hbm4b:s15+s7], $0x4000, $0x38;
	[tilespmem:$0x14100] =	vst v63  }
0xea: {  	_ =	swait.ge [sflag:s20], $0x4000  }
0xeb: {  	[sflag:s20] =	ssyncset.done $0x0  }
0xec: {  	s8 =	simm.s32 $0x0;
	[sflag:s20] =	ssyncadd.s32 $0xFFFFC000  }
0xed: {  	v4 =	vld [tilespmem:s8+$0x8020];
	_ =	sdelay $0x4  }
0xee: {  	v3 =	vmax.f32 v4, $1.000000000e+00  }
0xef: {  	(erf) = vrcp.f32 v3;
	_ =	sdelay $0x2  }
0xf0: {  	s7 =	simm.s32 $0x80  }
0xf1: {  	v3 =	vld [tilespmem:s7+$0x8020]  }
0xf2: {  	v5 =	vld [tilespmem:s8+$0x8000]  }
0xf3: {  	v6 =	vld [tilespmem:s8+$0x8010]  }
0xf4: {  	v7 =	vld [tilespmem:s8+$0x0]  }
0xf5: {  	v8 =	vld [tilespmem:s8+$0x10]  }
0xf6: {  	v4 =	vmin.f32 v4, $1.000000000e+00;
	v63 =	vmax.f32 v3, $1.000000000e+00;
	v9 =	vpop (erf)  }
0xf7: {  	v10 =	vsub.f32 $1.000000000e+00, v4;
	(erf) = vrcp.f32 v63;
	v5 =	vmul.f32 v9, v5  }
0xf8: {  	v6 =	vmul.f32 v9, v6  }
0xf9: {  	v7 =	vmul.f32 v7, v10;
	v11 =	vmul.f32 v5, v4  }
0xfa: {  	s9 =	simm.s32 $0x100;
	v5 =	vmul.f32 v6, v4;
	v6 =	vmul.f32 v8, v10  }
0xfb: {  	s10 =	simm.s32 $0x600;
	v4 =	vld [tilespmem:s9+$0x8020];
	v7 =	vadd.f32 v7, v11  }
.LBB2_17:
0xfc: {  	p0 =	sne.s32 s10, $0xFE00;
	v8 =	vld [tilespmem:s7+$0x8000];
	v5 =	vadd.f32 v6, v5  }
0xfd: {  	v6 =	vld [tilespmem:s7+$0x8010];
	[tilespmem:s8+$0x0] =	vst v7  }
0xfe: {  	v7 =	vld [tilespmem:s7+$0x0];
	[tilespmem:s8+$0x10] =	vst v5;
	s8 =	smov.u32 s7;
	s7 =	smov.u32 s9  }
0xff: {  	v9 =	vld [tilespmem:s8+$0x10]  }
0x100: {  	v10 =	vmin.f32 v3, $1.000000000e+00;
	v5 =	vmax.f32 v4, $1.000000000e+00;
	v11 =	vpop (erf);
	v3 =	vmov v4  }
.Ltmp8:
0x101: {  	v4 =	vsub.f32 $1.000000000e+00, v10;
	(erf) = vrcp.f32 v5;
	v5 =	vmul.f32 v11, v8;
	(pc) =	sbr.rel @p0 .LBB2_17-.Ltmp8, $4  }
0x102: {  	v6 =	vmul.f32 v11, v6  }
0x103: {  	v8 =	vmul.f32 v5, v10;
	v7 =	vmul.f32 v7, v4  }
0x104: {  	s9 =	sshra.s32 s10, $0x2;
	v5 =	vmul.f32 v6, v10;
	v6 =	vmul.f32 v9, v4  }
0x105: {  	s10 =	sadd.s32 $0x200, s10;
	v4 =	vld [tilespmem:s9+$0x8020];
	v7 =	vadd.f32 v7, v8  }
0x106: {  	v8 =	vld [tilespmem:s7+$0x8000];
	v5 =	vadd.f32 v6, v5  }
0x107: {  	v9 =	vld [tilespmem:s7+$0x8010];
	[tilespmem:s8+$0x0] =	vst v7  }
0x108: {  	v56 =	vld [tilespmem:s7+$0x0];
	[tilespmem:s8+$0x10] =	vst v5  }
0x109: {  	v5 =	vld [tilespmem:s7+$0x10]  }
0x10a: {  	v3 =	vmin.f32 v3, $1.000000000e+00;
	v57 =	vpop (erf);
	v10 =	vmax.f32 v4, $1.000000000e+00  }
0x10b: {  	v11 =	vsub.f32 $1.000000000e+00, v3;
	v8 =	vmul.f32 v57, v8;
	(erf) = vrcp.f32 v10  }
0x10c: {  	v7 =	vmul.f32 v57, v9  }
0x10d: {  	v8 =	vmul.f32 v8, v3;
	v6 =	vmul.f32 v56, v11  }
0x10e: {  	v3 =	vmul.f32 v7, v3;
	v5 =	vmul.f32 v5, v11  }
0x10f: {  	v6 =	vadd.f32 v6, v8  }
0x110: {  	v58 =	vld [tilespmem:s9+$0x8000];
	v3 =	vadd.f32 v5, v3  }
0x111: {  	v59 =	vld [tilespmem:s9+$0x8010];
	[tilespmem:s7+$0x0] =	vst v6  }
0x112: {  	v60 =	vld [tilespmem:s9+$0x0];
	[tilespmem:s7+$0x10] =	vst v3  }
0x113: {  	v3 =	vld [tilespmem:s9+$0x10]  }
0x114: {  	v61 =	vmin.f32 v4, $1.000000000e+00;
	v62 =	vpop (erf)  }
0x115: {  	v63 =	vsub.f32 $1.000000000e+00, v61;
	v7 =	vmul.f32 v62, v58  }
0x116: {  	v6 =	vmul.f32 v62, v59  }
0x117: {  	v7 =	vmul.f32 v7, v61;
	v5 =	vmul.f32 v60, v63  }
0x118: {  	v4 =	vmul.f32 v6, v61;
	v3 =	vmul.f32 v3, v63  }
0x119: {  	v5 =	vadd.f32 v5, v7  }
0x11a: {  	s1 =	sadd.s32 $0x1, s1;
	v3 =	vadd.f32 v3, v4  }
0x11b: {  	p0 =	sne.s32 s1, s17;
	[tilespmem:s9+$0x0] =	vst v5  }
.Ltmp9:
0x11c: {  	[tilespmem:s9+$0x10] =	vst v3;
	(pc) =	sbr.rel @p0 .LBB2_1-.Ltmp9, $4  }
0x11d: {  	[hbm4b:s16+s3] =	stream.linear.scatter [tilespmem:s3], [sflag:$0x7], $0x4000, $0x38;
	[tilespmem:$0x14100] =	vst v63  }
0x11e: {  	_ =	swait.ge [sflag:s20], $0x4000  }
0x11f: {  	[sflag:s20] =	ssyncset.done $0x0  }
0x120: {  	[sflag:s20] =	ssyncadd.s32 $0xFFFFC000  }
0x121: {  	_ =	sfence.sel $0x180000  }
0x122: {  	[bflag:$0x0] =	sbarrier.arrive $0xFFFF  }
0x123: {  	_ =	strace $0x90000047  }
0x124: {  	s0 =	stileid.u32;
	[bflag:$0x2] =	sbarrier.arrive $0xFFFF  }
0x125: {  	p0 =	sne.s32 s0, $0x0;
	s0 =	rddreg [dreg:$0x3]  }
0x126: {  	s0 =	sadd.s32 @!p0 $0x100000, s0  }
0x127: {  	[sflag:s0] =	ssyncadd.tile.s32 @!p0 $0x1;
	_ =	shalt  }
.Lfunc_end2:
_tile_overlayer_lowered:
.L_overlay_start_2:
0x128: {  	(tag) =	ssettag $0x2  }
0x129: {  	s0 =	rddreg [dreg:$0x0];
	s2 =	stileid.u32  }
0x12a: {  	s1 =	rddreg [dreg:$0x1];
	p0 =	sne.s32 s2, $0x0  }
0x12b: {  	s3 =	rddreg [dreg:$0x2];
	[bflag:$0x3] =	sbarrier.arrive $0xFFFF;
	s2 =	simm.s32 @!p0 $0x1C07  }
0x12c: {  	[timem:s3], [sflag:s2] =	dma.local @!p0 [hbm:s0], s1  }
0x12d: {  	s0 =	simm.s32 @!p0 $0x7  }
0x12e: {  	_ =	swait.ge @!p0 [sflag:s0], s1  }
0x12f: {  	s1 =	ssub.s32 @!p0 $0x0, s1;
	[sflag:s0] =	ssyncset.done @!p0 $0x0  }
0x130: {  	[sflag:s0] =	ssyncadd.s32 @!p0 s1  }
0x131: {  	[bflag:$0x3] =	sbarrier.arrive $0xFFFF  }
0x132: {  	_ =	shalt  }

</sc_bundles>
